<compile_context>
chip_gen: v7x
topology: tpu7x:2x2x1
jax: 0.10.2.dev20260603
libtpu: 0.0.44.dev20260713+nightly
codegen_flags: <defaults>
</compile_context>

<pallas_src>
import jax
import jax.numpy as jnp
from jax import lax
from jax.experimental import pallas as pl
from jax.experimental.pallas import tpu as pltpu
from jax.experimental.pallas import tpu_sc as plsc

BN_EPS = 1e-5
NC = 2
NS = 16
CHUNK = 128
NSLOT = 3


def _make_sc_agg(n, d, cpw, acc_n, rows_per_tile, num_groups):
    mesh = plsc.VectorSubcoreMesh(
        core_axis_name="c", subcore_axis_name="s", num_cores=NC, num_subcores=NS
    )

    def body(h_hbm, idxp_hbm, zeros_hbm, out_hbm,
             acc, idx_v, rows_v, gsem, ssem, isem, zsem):
        cid = lax.axis_index("c")
        sid = lax.axis_index("s")
        row0 = sid * rows_per_tile
        zcopy = pltpu.make_async_copy(
            zeros_hbm, acc.at[pl.ds(row0, rows_per_tile)], zsem)
        zcopy.start()

        wid = sid * NC + cid
        base_c = wid * cpw

        def gather_desc(s):
            return pltpu.make_async_copy(
                h_hbm.at[idx_v.at[s, 0]], rows_v.at[s], gsem)

        def scatter_desc(s):
            return pltpu.make_async_copy(
                rows_v.at[s], acc.at[idx_v.at[s, 1]], ssem)

        def idx_desc(g, s):
            return pltpu.make_async_copy(
                idxp_hbm.at[base_c + g], idx_v.at[s], isem)

        pltpu.sync_copy(idxp_hbm.at[base_c], idx_v.at[0])
        gather_desc(0).start()
        zcopy.wait()
        plsc.subcore_barrier()

        def step(g, carry):
            s = lax.rem(g, NSLOT)
            s1 = lax.rem(g + 1, NSLOT)

            @pl.when(g >= 2)
            def _():
                scatter_desc(s1).wait()

            @pl.when(g + 1 < num_groups)
            def _():
                idx_desc(g + 1, s1).start()

            gather_desc(s).wait()
            scatter_desc(s).start(add=True)

            @pl.when(g + 1 < num_groups)
            def _():
                idx_desc(g + 1, s1).wait()
                gather_desc(s1).start()

            return carry

        lax.fori_loop(0, num_groups, step, 0)
        scatter_desc((num_groups - 2) % NSLOT).wait()
        scatter_desc((num_groups - 1) % NSLOT).wait()
        plsc.subcore_barrier()
        pltpu.sync_copy(acc.at[pl.ds(row0, rows_per_tile)],
                        out_hbm.at[cid, pl.ds(row0, rows_per_tile)])

    kern = pl.kernel(
        body,
        out_type=jax.ShapeDtypeStruct((NC, acc_n, d), jnp.float32),
        mesh=mesh,
        scratch_types=[
            pltpu.VMEM_SHARED((acc_n, d), jnp.float32),
            pltpu.VMEM((NSLOT, 2, CHUNK), jnp.int32),
            pltpu.VMEM((NSLOT, CHUNK, d), jnp.float32),
            pltpu.SemaphoreType.DMA,
            pltpu.SemaphoreType.DMA,
            pltpu.SemaphoreType.DMA,
            pltpu.SemaphoreType.DMA,
        ],
    )
    return kern


def _make_dense(n, d, relu_out):
    def body(h_ref, p_ref, w1_ref, b1_ref, w2_ref, b2_ref, g_ref, be_ref, o_ref):
        z = h_ref[...] + p_ref[0, :n, :] + p_ref[1, :n, :]
        z = jnp.dot(z, w1_ref[...], preferred_element_type=jnp.float32) + b1_ref[...]
        z = jnp.maximum(z, 0.0)
        z = jnp.dot(z, w2_ref[...], preferred_element_type=jnp.float32) + b2_ref[...]
        m = jnp.mean(z, axis=0, keepdims=True)
        dlt = z - m
        v = jnp.mean(dlt * dlt, axis=0, keepdims=True)
        zn = dlt / jnp.sqrt(v + BN_EPS) * g_ref[...] + be_ref[...]
        if relu_out:
            zn = jnp.maximum(zn, 0.0)
        o_ref[...] = zn

    return pl.pallas_call(
        body,
        out_shape=jax.ShapeDtypeStruct((n, d), jnp.float32),
    )


def kernel(x, edge_index, W1, b1, W2, b2, gamma, beta):
    n, d = x.shape
    e = edge_index.shape[1]
    num_layers = W1.shape[0]

    nw = NC * NS
    num_groups = -(-e // (CHUNK * nw))
    cpw = num_groups
    e_pad = cpw * CHUNK * nw
    nchunk = e_pad // CHUNK
    rows_per_tile = -(-(n + 1) // NS)
    rows_per_tile = -(-rows_per_tile // 8) * 8
    acc_n = rows_per_tile * NS

    src = edge_index[0]
    dst = edge_index[1]
    pad = e_pad - e
    srcp = jnp.concatenate([src, jnp.zeros((pad,), jnp.int32)]).reshape(nchunk, CHUNK)
    dstp = jnp.concatenate([dst, jnp.full((pad,), n, jnp.int32)]).reshape(nchunk, CHUNK)
    idxp = jnp.stack([srcp, dstp], axis=1)
    zeros = jnp.zeros((rows_per_tile, d), jnp.float32)

    sc_agg = _make_sc_agg(n, d, cpw, acc_n, rows_per_tile, num_groups)

    b1r = b1.reshape(num_layers, 1, d)
    b2r = b2.reshape(num_layers, 1, d)
    gr = gamma.reshape(num_layers, 1, d)
    br = beta.reshape(num_layers, 1, d)

    h = x
    for i in range(num_layers):
        parts = sc_agg(h, idxp, zeros)
        dense = _make_dense(n, d, relu_out=(i < num_layers - 1))
        h = dense(h, parts, W1[i], b1r[i], W2[i], b2r[i], gr[i], br[i])
    return h

# --- scband reference (transcript-rebuilt; emitter-appended) ---
"""Pipeline reference for scband-message-passing-encoder-81217831568100 (READ-ONLY COPY).

The authoritative reference and input builder live on the scoring server;
editing this copy changes nothing except your own understanding.
"""

import jax, jax.numpy as jnp
import numpy as np

N = 10000
E = 320000
D = 128
L = 3
BN_EPS = 1e-5

def setup_inputs(seed: int = 0) -> dict:
    key = jax.random.key(seed)
    ks = jax.random.split(key, 8)
    x = jax.random.normal(ks[0], (N, D), dtype=jnp.float32)
    edge_index = jax.random.randint(ks[1], (2, E), 0, N, dtype=jnp.int32)
    # GIN layer params: per layer an MLP Linear(D->D) -> ReLU -> Linear(D->D), plus BatchNorm gamma/beta.
    # All layer dims are 128 (in=hidden=out), so stack params along leading layer axis.
    W1 = jax.random.normal(ks[2], (L, D, D), dtype=jnp.float32) * (1.0 / np.sqrt(D))
    b1 = jnp.zeros((L, D), dtype=jnp.float32)
    W2 = jax.random.normal(ks[3], (L, D, D), dtype=jnp.float32) * (1.0 / np.sqrt(D))
    b2 = jnp.zeros((L, D), dtype=jnp.float32)
    gamma = jnp.ones((L, D), dtype=jnp.float32)
    beta = jnp.zeros((L, D), dtype=jnp.float32)
    return {"x": x, "edge_index": edge_index, "W1": W1, "b1": b1, "W2": W2, "b2": b2, "gamma": gamma, "beta": beta}

def reference(x, edge_index, W1, b1, W2, b2, gamma, beta):
    # MessagePassingEncoder with gnn_type='gin', num_layers=3.
    # GINConv (eps=0): h' = MLP((1+eps)*x + sum_{j in N(i)} x_j)
    # followed by BatchNorm1d (training-mode batch statistics); ReLU between layers.
    # Dropout treated as identity (deterministic reference).
    src = edge_index[0]
    dst = edge_index[1]
    h = x
    for i in range(L):
        msgs = jnp.take(h, src, axis=0)                      # gather source node features [E, D]
        agg = jax.ops.segment_sum(msgs, dst, num_segments=N)  # scatter-add to dst nodes [N, D]
        z = h + agg                                           # (1 + eps)*x + agg, eps = 0
        z = z @ W1[i] + b1[i]
        z = jax.nn.relu(z)
        z = z @ W2[i] + b2[i]
        mean = jnp.mean(z, axis=0)
        var = jnp.var(z, axis=0)
        z = (z - mean) / jnp.sqrt(var + BN_EPS) * gamma[i] + beta[i]
        if i < L - 1:
            z = jax.nn.relu(z)
        h = z
    return h

if __name__ == "__main__":
    import jax
    _d = setup_inputs()
    print(jax.jit(kernel)(*tuple(_d.values())))

</pallas_src>

<mosaic_0001>
#map = affine_map<(d0, d1) -> (0, 0)>
#map1 = affine_map<(d0, d1) -> (0, 0, 0)>
module attributes {stable_mosaic.version = 14 : i64} {
  func.func @body(%arg0: i32, %arg1: i32, %arg2: memref<10000x128xf32, #tpu.memory_space<hbm>>, %arg3: memref<2528x2x128xi32, #tpu.memory_space<hbm>>, %arg4: memref<632x128xf32, #tpu.memory_space<hbm>>, %arg5: memref<2x10112x128xf32, #tpu.memory_space<hbm>>, %arg6: memref<10112x128xf32, #tpu.memory_space<vmem_shared>>, %arg7: memref<3x2x128xi32, #tpu.memory_space<vmem>>, %arg8: memref<3x128x128xf32, #tpu.memory_space<vmem>>, %arg9: memref<!tpu.dma_semaphore, #tpu.memory_space<semaphore_mem>>, %arg10: memref<!tpu.dma_semaphore, #tpu.memory_space<semaphore_mem>>, %arg11: memref<!tpu.dma_semaphore, #tpu.memory_space<semaphore_mem>>, %arg12: memref<!tpu.dma_semaphore, #tpu.memory_space<semaphore_mem>>) attributes {dimension_semantics = [#tpu.dimension_semantics<core_parallel>, #tpu.dimension_semantics<subcore_parallel>], iteration_bounds = array<i64: 2, 16>, scalar_prefetch = 0 : i64, scratch_operands = 7 : i64, tpu.core_type = #tpu.core_type<sc_vector_subcore>, window_params = [{transform_indices = #map}, {transform_indices = #map1}, {transform_indices = #map}, {transform_indices = #map1}]} {
    %mul3A = arith.constant 632 : i32
    %mul3A_0 = arith.muli %arg1, %mul3A : i32
    %dma_start3A = arith.constant 0 : i32
    %dma_start3A_1 = tpu.memref_slice %arg6[%mul3A_0, %dma_start3A] : memref<10112x128xf32, #tpu.memory_space<vmem_shared>> -> memref<632x128xf32, #tpu.memory_space<vmem_shared>>
    tpu.enqueue_dma source(%arg4 : memref<632x128xf32, #tpu.memory_space<hbm>>) target(%dma_start3A_1 : memref<632x128xf32, #tpu.memory_space<vmem_shared>>) target_semaphore(%arg12 : memref<!tpu.dma_semaphore, #tpu.memory_space<semaphore_mem>>)
    %mul3A_2 = arith.constant 2 : i32
    %mul3A_3 = arith.muli %arg1, %mul3A_2 : i32
    %add3A = arith.addi %mul3A_3, %arg0 : i32
    %mul3A_4 = arith.constant 79 : i32
    %mul3A_5 = arith.muli %add3A, %mul3A_4 : i32
    %run_scoped3A = arith.constant 0 : i32
    "tpu.region"() ({
      %run_scoped3A_52 = tpu.sem_alloc : memref<!tpu.dma_semaphore, #tpu.memory_space<semaphore_mem>>
      %dma_start3A_53 = arith.constant 0 : i32
      %dma_start3A_54 = arith.constant 0 : i32
      %dma_start3A_55 = tpu.memref_slice %arg7[%run_scoped3A, %dma_start3A_53, %dma_start3A_54] : memref<3x2x128xi32, #tpu.memory_space<vmem>> -> memref<1x2x128xi32, #tpu.memory_space<vmem>>
      %dma_start3A_56 = tpu.memref_squeeze %dma_start3A_55 : memref<1x2x128xi32, #tpu.memory_space<vmem>> -> memref<2x128xi32, #tpu.memory_space<vmem>>
      %dma_start3A_57 = arith.constant 0 : i32
      %dma_start3A_58 = arith.constant 0 : i32
      %dma_start3A_59 = tpu.memref_slice %arg3[%mul3A_5, %dma_start3A_57, %dma_start3A_58] : memref<2528x2x128xi32, #tpu.memory_space<hbm>> -> memref<1x2x128xi32, #tpu.memory_space<hbm>>
      %dma_start3A_60 = tpu.memref_squeeze %dma_start3A_59 : memref<1x2x128xi32, #tpu.memory_space<hbm>> -> memref<2x128xi32, #tpu.memory_space<hbm>>
      %dma_start3A_61 = arith.constant 0 : i32
      %dma_start3A_62 = arith.constant 0 : i32
      %dma_start3A_63 = tpu.memref_slice %arg7[%run_scoped3A, %dma_start3A_61, %dma_start3A_62] : memref<3x2x128xi32, #tpu.memory_space<vmem>> -> memref<1x2x128xi32, #tpu.memory_space<vmem>>
      %dma_start3A_64 = tpu.memref_squeeze %dma_start3A_63 : memref<1x2x128xi32, #tpu.memory_space<vmem>> -> memref<2x128xi32, #tpu.memory_space<vmem>>
      %dma_start3A_65 = arith.constant 0 : i32
      %dma_start3A_66 = arith.constant 0 : i32
      %dma_start3A_67 = tpu.memref_slice %arg3[%mul3A_5, %dma_start3A_65, %dma_start3A_66] : memref<2528x2x128xi32, #tpu.memory_space<hbm>> -> memref<1x2x128xi32, #tpu.memory_space<hbm>>
      %dma_start3A_68 = tpu.memref_squeeze %dma_start3A_67 : memref<1x2x128xi32, #tpu.memory_space<hbm>> -> memref<2x128xi32, #tpu.memory_space<hbm>>
      tpu.enqueue_dma source(%dma_start3A_68 : memref<2x128xi32, #tpu.memory_space<hbm>>) target(%dma_start3A_64 : memref<2x128xi32, #tpu.memory_space<vmem>>) target_semaphore(%run_scoped3A_52 : memref<!tpu.dma_semaphore, #tpu.memory_space<semaphore_mem>>)
      %dma_wait3A_69 = arith.constant 0 : i32
      %dma_wait3A_70 = arith.constant 0 : i32
      %dma_wait3A_71 = tpu.memref_slice %arg7[%run_scoped3A, %dma_wait3A_69, %dma_wait3A_70] : memref<3x2x128xi32, #tpu.memory_space<vmem>> -> memref<1x2x128xi32, #tpu.memory_space<vmem>>
      %dma_wait3A_72 = tpu.memref_squeeze %dma_wait3A_71 : memref<1x2x128xi32, #tpu.memory_space<vmem>> -> memref<2x128xi32, #tpu.memory_space<vmem>>
      %dma_wait3A_73 = arith.constant 0 : i32
      %dma_wait3A_74 = arith.constant 0 : i32
      %dma_wait3A_75 = tpu.memref_slice %arg3[%mul3A_5, %dma_wait3A_73, %dma_wait3A_74] : memref<2528x2x128xi32, #tpu.memory_space<hbm>> -> memref<1x2x128xi32, #tpu.memory_space<hbm>>
      %dma_wait3A_76 = tpu.memref_squeeze %dma_wait3A_75 : memref<1x2x128xi32, #tpu.memory_space<hbm>> -> memref<2x128xi32, #tpu.memory_space<hbm>>
      %dma_wait3A_77 = arith.constant 0 : i32
      %dma_wait3A_78 = arith.constant 0 : i32
      %dma_wait3A_79 = tpu.memref_slice %arg7[%run_scoped3A, %dma_wait3A_77, %dma_wait3A_78] : memref<3x2x128xi32, #tpu.memory_space<vmem>> -> memref<1x2x128xi32, #tpu.memory_space<vmem>>
      %dma_wait3A_80 = tpu.memref_squeeze %dma_wait3A_79 : memref<1x2x128xi32, #tpu.memory_space<vmem>> -> memref<2x128xi32, #tpu.memory_space<vmem>>
      %dma_wait3A_81 = arith.constant 0 : i32
      %dma_wait3A_82 = arith.constant 0 : i32
      %dma_wait3A_83 = tpu.memref_slice %arg3[%mul3A_5, %dma_wait3A_81, %dma_wait3A_82] : memref<2528x2x128xi32, #tpu.memory_space<hbm>> -> memref<1x2x128xi32, #tpu.memory_space<hbm>>
      %dma_wait3A_84 = tpu.memref_squeeze %dma_wait3A_83 : memref<1x2x128xi32, #tpu.memory_space<hbm>> -> memref<2x128xi32, #tpu.memory_space<hbm>>
      tpu.wait_dma2 semaphore(%run_scoped3A_52 : memref<!tpu.dma_semaphore, #tpu.memory_space<semaphore_mem>>) src(%dma_wait3A_84 : memref<2x128xi32, #tpu.memory_space<hbm>>) dst(%dma_wait3A_80 : memref<2x128xi32, #tpu.memory_space<vmem>>)
      tpu.yield
    }) : () -> ()
    %dma_start3A_6 = arith.constant 0 : i32
    %dma_start3A_7 = arith.constant 0 : i32
    %dma_start3A_8 = arith.constant 0 : i32
    %dma_start3A_9 = arith.constant 0 : i32
    %dma_start3A_10 = arith.constant 0 : i32
    %dma_start3A_11 = tpu.memref_slice %arg8[%dma_start3A_8, %dma_start3A_9, %dma_start3A_10] : memref<3x128x128xf32, #tpu.memory_space<vmem>> -> memref<1x128x128xf32, #tpu.memory_space<vmem>>
    %dma_start3A_12 = tpu.memref_squeeze %dma_start3A_11 : memref<1x128x128xf32, #tpu.memory_space<vmem>> -> memref<128x128xf32, #tpu.memory_space<vmem>>
    %dma_start3A_13 = arith.constant 0 : i32
    %dma_start3A_14 = tpu.memref_slice %arg7[%dma_start3A_6, %dma_start3A_7, %dma_start3A_13] : memref<3x2x128xi32, #tpu.memory_space<vmem>> -> memref<1x1x128xi32, #tpu.memory_space<vmem>>
    %dma_start3A_15 = tpu.memref_squeeze %dma_start3A_14 : memref<1x1x128xi32, #tpu.memory_space<vmem>> -> memref<128xi32, #tpu.memory_space<vmem>>
    %dma_start3A_16 = arith.constant 0 : i32
    %dma_start3A_17 = arith.constant 0 : i32
    %dma_start3A_18 = tpu.memref_slice %arg2[%dma_start3A_16, %dma_start3A_17] : memref<10000x128xf32, #tpu.memory_space<hbm>> -> memref<10000x128xf32, #tpu.memory_space<hbm>>
    tpu.enqueue_indirect_dma source(%dma_start3A_18 : memref<10000x128xf32, #tpu.memory_space<hbm>>) target(%dma_start3A_12 : memref<128x128xf32, #tpu.memory_space<vmem>>) offsets(%dma_start3A_15 : memref<128xi32, #tpu.memory_space<vmem>>) semaphore(%arg9 : memref<!tpu.dma_semaphore, #tpu.memory_space<semaphore_mem>>)
    %dma_wait3A = arith.constant 0 : i32
    %dma_wait3A_19 = tpu.memref_slice %arg6[%mul3A_0, %dma_wait3A] : memref<10112x128xf32, #tpu.memory_space<vmem_shared>> -> memref<632x128xf32, #tpu.memory_space<vmem_shared>>
    tpu.wait_dma2 semaphore(%arg12 : memref<!tpu.dma_semaphore, #tpu.memory_space<semaphore_mem>>) src(%arg4 : memref<632x128xf32, #tpu.memory_space<hbm>>) dst(%dma_wait3A_19 : memref<632x128xf32, #tpu.memory_space<vmem_shared>>)
    %barrier3A = arith.constant 0 : index
    tpu.barrier barrier_id(%barrier3A)
    %scan3A = arith.constant 0 : i32
    %scan3A_20 = arith.constant 0 : i32
    %scan3A_21 = arith.constant 79 : i32
    %scan3A_22 = arith.addi %scan3A_20, %scan3A_21 : i32
    %scan3A_23 = arith.constant 1 : i32
    scf.for %scan3A_52 = %scan3A_20 to %scan3A_22 step %scan3A_23  : i32 {
      %rem3A = arith.constant 3 : i32
      %rem3A_53 = arith.remsi %scan3A_52, %rem3A : i32
      %add3A_54 = arith.constant 1 : i32
      %add3A_55 = arith.addi %scan3A_52, %add3A_54 : i32
      %rem3A_56 = arith.constant 3 : i32
      %rem3A_57 = arith.remsi %add3A_55, %rem3A_56 : i32
      %ge3A = arith.constant 2 : i32
      %ge3A_58 = arith.cmpi sge, %scan3A_52, %ge3A : i32
      %convert_element_type3A = arith.extui %ge3A_58 : i1 to i32
      %cond3A = arith.constant 0 : i32
      %cond3A_59 = arith.cmpi ne, %convert_element_type3A, %cond3A : i32
      scf.if %cond3A_59 {
        %dma_wait3A_95 = arith.constant 1 : i32
        %dma_wait3A_96 = arith.constant 0 : i32
        %dma_wait3A_97 = arith.constant 0 : i32
        %dma_wait3A_98 = tpu.memref_slice %arg8[%rem3A_57, %dma_wait3A_96, %dma_wait3A_97] : memref<3x128x128xf32, #tpu.memory_space<vmem>> -> memref<1x128x128xf32, #tpu.memory_space<vmem>>
        %dma_wait3A_99 = tpu.memref_squeeze %dma_wait3A_98 : memref<1x128x128xf32, #tpu.memory_space<vmem>> -> memref<128x128xf32, #tpu.memory_space<vmem>>
        %dma_wait3A_100 = arith.constant 0 : i32
        %dma_wait3A_101 = tpu.memref_slice %arg7[%rem3A_57, %dma_wait3A_95, %dma_wait3A_100] : memref<3x2x128xi32, #tpu.memory_space<vmem>> -> memref<1x1x128xi32, #tpu.memory_space<vmem>>
        %dma_wait3A_102 = tpu.memref_squeeze %dma_wait3A_101 : memref<1x1x128xi32, #tpu.memory_space<vmem>> -> memref<128xi32, #tpu.memory_space<vmem>>
        %dma_wait3A_103 = arith.constant 0 : i32
        %dma_wait3A_104 = arith.constant 0 : i32
        %dma_wait3A_105 = tpu.memref_slice %arg6[%dma_wait3A_103, %dma_wait3A_104] : memref<10112x128xf32, #tpu.memory_space<vmem_shared>> -> memref<10112x128xf32, #tpu.memory_space<vmem_shared>>
        tpu.wait_indirect_dma semaphore(%arg10 : memref<!tpu.dma_semaphore, #tpu.memory_space<semaphore_mem>>) src(%dma_wait3A_99 : memref<128x128xf32, #tpu.memory_space<vmem>>) dst(%dma_wait3A_105 : memref<10112x128xf32, #tpu.memory_space<vmem_shared>>)
      } else {
      }
      %add3A_60 = arith.constant 1 : i32
      %add3A_61 = arith.addi %scan3A_52, %add3A_60 : i32
      %lt3A = arith.constant 79 : i32
      %lt3A_62 = arith.cmpi slt, %add3A_61, %lt3A : i32
      %convert_element_type3A_63 = arith.extui %lt3A_62 : i1 to i32
      %cond3A_64 = arith.constant 0 : i32
      %cond3A_65 = arith.cmpi ne, %convert_element_type3A_63, %cond3A_64 : i32
      scf.if %cond3A_65 {
        %add3A_95 = arith.constant 1 : i32
        %add3A_96 = arith.addi %scan3A_52, %add3A_95 : i32
        %add3A_97 = arith.addi %mul3A_5, %add3A_96 : i32
        %dma_start3A_98 = arith.constant 0 : i32
        %dma_start3A_99 = arith.constant 0 : i32
        %dma_start3A_100 = tpu.memref_slice %arg7[%rem3A_57, %dma_start3A_98, %dma_start3A_99] : memref<3x2x128xi32, #tpu.memory_space<vmem>> -> memref<1x2x128xi32, #tpu.memory_space<vmem>>
        %dma_start3A_101 = tpu.memref_squeeze %dma_start3A_100 : memref<1x2x128xi32, #tpu.memory_space<vmem>> -> memref<2x128xi32, #tpu.memory_space<vmem>>
        %dma_start3A_102 = arith.constant 0 : i32
        %dma_start3A_103 = arith.constant 0 : i32
        %dma_start3A_104 = tpu.memref_slice %arg3[%add3A_97, %dma_start3A_102, %dma_start3A_103] : memref<2528x2x128xi32, #tpu.memory_space<hbm>> -> memref<1x2x128xi32, #tpu.memory_space<hbm>>
        %dma_start3A_105 = tpu.memref_squeeze %dma_start3A_104 : memref<1x2x128xi32, #tpu.memory_space<hbm>> -> memref<2x128xi32, #tpu.memory_space<hbm>>
        %dma_start3A_106 = arith.constant 0 : i32
        %dma_start3A_107 = arith.constant 0 : i32
        %dma_start3A_108 = tpu.memref_slice %arg7[%rem3A_57, %dma_start3A_106, %dma_start3A_107] : memref<3x2x128xi32, #tpu.memory_space<vmem>> -> memref<1x2x128xi32, #tpu.memory_space<vmem>>
        %dma_start3A_109 = tpu.memref_squeeze %dma_start3A_108 : memref<1x2x128xi32, #tpu.memory_space<vmem>> -> memref<2x128xi32, #tpu.memory_space<vmem>>
        %dma_start3A_110 = arith.constant 0 : i32
        %dma_start3A_111 = arith.constant 0 : i32
        %dma_start3A_112 = tpu.memref_slice %arg3[%add3A_97, %dma_start3A_110, %dma_start3A_111] : memref<2528x2x128xi32, #tpu.memory_space<hbm>> -> memref<1x2x128xi32, #tpu.memory_space<hbm>>
        %dma_start3A_113 = tpu.memref_squeeze %dma_start3A_112 : memref<1x2x128xi32, #tpu.memory_space<hbm>> -> memref<2x128xi32, #tpu.memory_space<hbm>>
        tpu.enqueue_dma source(%dma_start3A_113 : memref<2x128xi32, #tpu.memory_space<hbm>>) target(%dma_start3A_109 : memref<2x128xi32, #tpu.memory_space<vmem>>) target_semaphore(%arg11 : memref<!tpu.dma_semaphore, #tpu.memory_space<semaphore_mem>>)
      } else {
      }
      %dma_wait3A_66 = arith.constant 0 : i32
      %dma_wait3A_67 = arith.constant 0 : i32
      %dma_wait3A_68 = arith.constant 0 : i32
      %dma_wait3A_69 = tpu.memref_slice %arg8[%rem3A_53, %dma_wait3A_67, %dma_wait3A_68] : memref<3x128x128xf32, #tpu.memory_space<vmem>> -> memref<1x128x128xf32, #tpu.memory_space<vmem>>
      %dma_wait3A_70 = tpu.memref_squeeze %dma_wait3A_69 : memref<1x128x128xf32, #tpu.memory_space<vmem>> -> memref<128x128xf32, #tpu.memory_space<vmem>>
      %dma_wait3A_71 = arith.constant 0 : i32
      %dma_wait3A_72 = tpu.memref_slice %arg7[%rem3A_53, %dma_wait3A_66, %dma_wait3A_71] : memref<3x2x128xi32, #tpu.memory_space<vmem>> -> memref<1x1x128xi32, #tpu.memory_space<vmem>>
      %dma_wait3A_73 = tpu.memref_squeeze %dma_wait3A_72 : memref<1x1x128xi32, #tpu.memory_space<vmem>> -> memref<128xi32, #tpu.memory_space<vmem>>
      %dma_wait3A_74 = arith.constant 0 : i32
      %dma_wait3A_75 = arith.constant 0 : i32
      %dma_wait3A_76 = tpu.memref_slice %arg2[%dma_wait3A_74, %dma_wait3A_75] : memref<10000x128xf32, #tpu.memory_space<hbm>> -> memref<10000x128xf32, #tpu.memory_space<hbm>>
      tpu.wait_indirect_dma semaphore(%arg9 : memref<!tpu.dma_semaphore, #tpu.memory_space<semaphore_mem>>) src(%dma_wait3A_76 : memref<10000x128xf32, #tpu.memory_space<hbm>>) dst(%dma_wait3A_70 : memref<128x128xf32, #tpu.memory_space<vmem>>)
      %dma_start3A_77 = arith.constant 1 : i32
      %dma_start3A_78 = arith.constant 0 : i32
      %dma_start3A_79 = arith.constant 0 : i32
      %dma_start3A_80 = tpu.memref_slice %arg8[%rem3A_53, %dma_start3A_78, %dma_start3A_79] : memref<3x128x128xf32, #tpu.memory_space<vmem>> -> memref<1x128x128xf32, #tpu.memory_space<vmem>>
      %dma_start3A_81 = tpu.memref_squeeze %dma_start3A_80 : memref<1x128x128xf32, #tpu.memory_space<vmem>> -> memref<128x128xf32, #tpu.memory_space<vmem>>
      %dma_start3A_82 = arith.constant 0 : i32
      %dma_start3A_83 = tpu.memref_slice %arg7[%rem3A_53, %dma_start3A_77, %dma_start3A_82] : memref<3x2x128xi32, #tpu.memory_space<vmem>> -> memref<1x1x128xi32, #tpu.memory_space<vmem>>
      %dma_start3A_84 = tpu.memref_squeeze %dma_start3A_83 : memref<1x1x128xi32, #tpu.memory_space<vmem>> -> memref<128xi32, #tpu.memory_space<vmem>>
      %dma_start3A_85 = arith.constant 0 : i32
      %dma_start3A_86 = arith.constant 0 : i32
      %dma_start3A_87 = tpu.memref_slice %arg6[%dma_start3A_85, %dma_start3A_86] : memref<10112x128xf32, #tpu.memory_space<vmem_shared>> -> memref<10112x128xf32, #tpu.memory_space<vmem_shared>>
      tpu.enqueue_indirect_dma source(%dma_start3A_81 : memref<128x128xf32, #tpu.memory_space<vmem>>) target(%dma_start3A_87 : memref<10112x128xf32, #tpu.memory_space<vmem_shared>>) offsets(%dma_start3A_84 : memref<128xi32, #tpu.memory_space<vmem>>) semaphore(%arg10 : memref<!tpu.dma_semaphore, #tpu.memory_space<semaphore_mem>>) {add = true}
      %add3A_88 = arith.constant 1 : i32
      %add3A_89 = arith.addi %scan3A_52, %add3A_88 : i32
      %lt3A_90 = arith.constant 79 : i32
      %lt3A_91 = arith.cmpi slt, %add3A_89, %lt3A_90 : i32
      %convert_element_type3A_92 = arith.extui %lt3A_91 : i1 to i32
      %cond3A_93 = arith.constant 0 : i32
      %cond3A_94 = arith.cmpi ne, %convert_element_type3A_92, %cond3A_93 : i32
      scf.if %cond3A_94 {
        %add3A_95 = arith.constant 1 : i32
        %add3A_96 = arith.addi %scan3A_52, %add3A_95 : i32
        %add3A_97 = arith.addi %mul3A_5, %add3A_96 : i32
        %dma_wait3A_98 = arith.constant 0 : i32
        %dma_wait3A_99 = arith.constant 0 : i32
        %dma_wait3A_100 = tpu.memref_slice %arg7[%rem3A_57, %dma_wait3A_98, %dma_wait3A_99] : memref<3x2x128xi32, #tpu.memory_space<vmem>> -> memref<1x2x128xi32, #tpu.memory_space<vmem>>
        %dma_wait3A_101 = tpu.memref_squeeze %dma_wait3A_100 : memref<1x2x128xi32, #tpu.memory_space<vmem>> -> memref<2x128xi32, #tpu.memory_space<vmem>>
        %dma_wait3A_102 = arith.constant 0 : i32
        %dma_wait3A_103 = arith.constant 0 : i32
        %dma_wait3A_104 = tpu.memref_slice %arg3[%add3A_97, %dma_wait3A_102, %dma_wait3A_103] : memref<2528x2x128xi32, #tpu.memory_space<hbm>> -> memref<1x2x128xi32, #tpu.memory_space<hbm>>
        %dma_wait3A_105 = tpu.memref_squeeze %dma_wait3A_104 : memref<1x2x128xi32, #tpu.memory_space<hbm>> -> memref<2x128xi32, #tpu.memory_space<hbm>>
        %dma_wait3A_106 = arith.constant 0 : i32
        %dma_wait3A_107 = arith.constant 0 : i32
        %dma_wait3A_108 = tpu.memref_slice %arg7[%rem3A_57, %dma_wait3A_106, %dma_wait3A_107] : memref<3x2x128xi32, #tpu.memory_space<vmem>> -> memref<1x2x128xi32, #tpu.memory_space<vmem>>
        %dma_wait3A_109 = tpu.memref_squeeze %dma_wait3A_108 : memref<1x2x128xi32, #tpu.memory_space<vmem>> -> memref<2x128xi32, #tpu.memory_space<vmem>>
        %dma_wait3A_110 = arith.constant 0 : i32
        %dma_wait3A_111 = arith.constant 0 : i32
        %dma_wait3A_112 = tpu.memref_slice %arg3[%add3A_97, %dma_wait3A_110, %dma_wait3A_111] : memref<2528x2x128xi32, #tpu.memory_space<hbm>> -> memref<1x2x128xi32, #tpu.memory_space<hbm>>
        %dma_wait3A_113 = tpu.memref_squeeze %dma_wait3A_112 : memref<1x2x128xi32, #tpu.memory_space<hbm>> -> memref<2x128xi32, #tpu.memory_space<hbm>>
        tpu.wait_dma2 semaphore(%arg11 : memref<!tpu.dma_semaphore, #tpu.memory_space<semaphore_mem>>) src(%dma_wait3A_113 : memref<2x128xi32, #tpu.memory_space<hbm>>) dst(%dma_wait3A_109 : memref<2x128xi32, #tpu.memory_space<vmem>>)
        %dma_start3A_114 = arith.constant 0 : i32
        %dma_start3A_115 = arith.constant 0 : i32
        %dma_start3A_116 = arith.constant 0 : i32
        %dma_start3A_117 = tpu.memref_slice %arg8[%rem3A_57, %dma_start3A_115, %dma_start3A_116] : memref<3x128x128xf32, #tpu.memory_space<vmem>> -> memref<1x128x128xf32, #tpu.memory_space<vmem>>
        %dma_start3A_118 = tpu.memref_squeeze %dma_start3A_117 : memref<1x128x128xf32, #tpu.memory_space<vmem>> -> memref<128x128xf32, #tpu.memory_space<vmem>>
        %dma_start3A_119 = arith.constant 0 : i32
        %dma_start3A_120 = tpu.memref_slice %arg7[%rem3A_57, %dma_start3A_114, %dma_start3A_119] : memref<3x2x128xi32, #tpu.memory_space<vmem>> -> memref<1x1x128xi32, #tpu.memory_space<vmem>>
        %dma_start3A_121 = tpu.memref_squeeze %dma_start3A_120 : memref<1x1x128xi32, #tpu.memory_space<vmem>> -> memref<128xi32, #tpu.memory_space<vmem>>
        %dma_start3A_122 = arith.constant 0 : i32
        %dma_start3A_123 = arith.constant 0 : i32
        %dma_start3A_124 = tpu.memref_slice %arg2[%dma_start3A_122, %dma_start3A_123] : memref<10000x128xf32, #tpu.memory_space<hbm>> -> memref<10000x128xf32, #tpu.memory_space<hbm>>
        tpu.enqueue_indirect_dma source(%dma_start3A_124 : memref<10000x128xf32, #tpu.memory_space<hbm>>) target(%dma_start3A_118 : memref<128x128xf32, #tpu.memory_space<vmem>>) offsets(%dma_start3A_121 : memref<128xi32, #tpu.memory_space<vmem>>) semaphore(%arg9 : memref<!tpu.dma_semaphore, #tpu.memory_space<semaphore_mem>>)
      } else {
      }
    }
    %scan3A_24 = arith.constant 79 : i32
    %dma_wait3A_25 = arith.constant 2 : i32
    %dma_wait3A_26 = arith.constant 2 : i32
    %dma_wait3A_27 = arith.constant 1 : i32
    %dma_wait3A_28 = arith.constant 0 : i32
    %dma_wait3A_29 = arith.constant 0 : i32
    %dma_wait3A_30 = tpu.memref_slice %arg8[%dma_wait3A_25, %dma_wait3A_28, %dma_wait3A_29] : memref<3x128x128xf32, #tpu.memory_space<vmem>> -> memref<1x128x128xf32, #tpu.memory_space<vmem>>
    %dma_wait3A_31 = tpu.memref_squeeze %dma_wait3A_30 : memref<1x128x128xf32, #tpu.memory_space<vmem>> -> memref<128x128xf32, #tpu.memory_space<vmem>>
    %dma_wait3A_32 = arith.constant 0 : i32
    %dma_wait3A_33 = tpu.memref_slice %arg7[%dma_wait3A_26, %dma_wait3A_27, %dma_wait3A_32] : memref<3x2x128xi32, #tpu.memory_space<vmem>> -> memref<1x1x128xi32, #tpu.memory_space<vmem>>
    %dma_wait3A_34 = tpu.memref_squeeze %dma_wait3A_33 : memref<1x1x128xi32, #tpu.memory_space<vmem>> -> memref<128xi32, #tpu.memory_space<vmem>>
    %dma_wait3A_35 = arith.constant 0 : i32
    %dma_wait3A_36 = arith.constant 0 : i32
    %dma_wait3A_37 = tpu.memref_slice %arg6[%dma_wait3A_35, %dma_wait3A_36] : memref<10112x128xf32, #tpu.memory_space<vmem_shared>> -> memref<10112x128xf32, #tpu.memory_space<vmem_shared>>
    tpu.wait_indirect_dma semaphore(%arg10 : memref<!tpu.dma_semaphore, #tpu.memory_space<semaphore_mem>>) src(%dma_wait3A_31 : memref<128x128xf32, #tpu.memory_space<vmem>>) dst(%dma_wait3A_37 : memref<10112x128xf32, #tpu.memory_space<vmem_shared>>)
    %dma_wait3A_38 = arith.constant 0 : i32
    %dma_wait3A_39 = arith.constant 0 : i32
    %dma_wait3A_40 = arith.constant 1 : i32
    %dma_wait3A_41 = arith.constant 0 : i32
    %dma_wait3A_42 = arith.constant 0 : i32
    %dma_wait3A_43 = tpu.memref_slice %arg8[%dma_wait3A_38, %dma_wait3A_41, %dma_wait3A_42] : memref<3x128x128xf32, #tpu.memory_space<vmem>> -> memref<1x128x128xf32, #tpu.memory_space<vmem>>
    %dma_wait3A_44 = tpu.memref_squeeze %dma_wait3A_43 : memref<1x128x128xf32, #tpu.memory_space<vmem>> -> memref<128x128xf32, #tpu.memory_space<vmem>>
    %dma_wait3A_45 = arith.constant 0 : i32
    %dma_wait3A_46 = tpu.memref_slice %arg7[%dma_wait3A_39, %dma_wait3A_40, %dma_wait3A_45] : memref<3x2x128xi32, #tpu.memory_space<vmem>> -> memref<1x1x128xi32, #tpu.memory_space<vmem>>
    %dma_wait3A_47 = tpu.memref_squeeze %dma_wait3A_46 : memref<1x1x128xi32, #tpu.memory_space<vmem>> -> memref<128xi32, #tpu.memory_space<vmem>>
    %dma_wait3A_48 = arith.constant 0 : i32
    %dma_wait3A_49 = arith.constant 0 : i32
    %dma_wait3A_50 = tpu.memref_slice %arg6[%dma_wait3A_48, %dma_wait3A_49] : memref<10112x128xf32, #tpu.memory_space<vmem_shared>> -> memref<10112x128xf32, #tpu.memory_space<vmem_shared>>
    tpu.wait_indirect_dma semaphore(%arg10 : memref<!tpu.dma_semaphore, #tpu.memory_space<semaphore_mem>>) src(%dma_wait3A_44 : memref<128x128xf32, #tpu.memory_space<vmem>>) dst(%dma_wait3A_50 : memref<10112x128xf32, #tpu.memory_space<vmem_shared>>)
    %barrier3A_51 = arith.constant 0 : index
    tpu.barrier barrier_id(%barrier3A_51)
    "tpu.region"() ({
      %run_scoped3A_52 = tpu.sem_alloc : memref<!tpu.dma_semaphore, #tpu.memory_space<semaphore_mem>>
      %dma_start3A_53 = arith.constant 0 : i32
      %dma_start3A_54 = tpu.memref_slice %arg5[%arg0, %mul3A_0, %dma_start3A_53] : memref<2x10112x128xf32, #tpu.memory_space<hbm>> -> memref<1x632x128xf32, #tpu.memory_space<hbm>>
      %dma_start3A_55 = tpu.memref_squeeze %dma_start3A_54 : memref<1x632x128xf32, #tpu.memory_space<hbm>> -> memref<632x128xf32, #tpu.memory_space<hbm>>
      %dma_start3A_56 = arith.constant 0 : i32
      %dma_start3A_57 = tpu.memref_slice %arg6[%mul3A_0, %dma_start3A_56] : memref<10112x128xf32, #tpu.memory_space<vmem_shared>> -> memref<632x128xf32, #tpu.memory_space<vmem_shared>>
      tpu.enqueue_dma source(%dma_start3A_57 : memref<632x128xf32, #tpu.memory_space<vmem_shared>>) target(%dma_start3A_55 : memref<632x128xf32, #tpu.memory_space<hbm>>) target_semaphore(%run_scoped3A_52 : memref<!tpu.dma_semaphore, #tpu.memory_space<semaphore_mem>>)
      %dma_wait3A_58 = arith.constant 0 : i32
      %dma_wait3A_59 = tpu.memref_slice %arg5[%arg0, %mul3A_0, %dma_wait3A_58] : memref<2x10112x128xf32, #tpu.memory_space<hbm>> -> memref<1x632x128xf32, #tpu.memory_space<hbm>>
      %dma_wait3A_60 = tpu.memref_squeeze %dma_wait3A_59 : memref<1x632x128xf32, #tpu.memory_space<hbm>> -> memref<632x128xf32, #tpu.memory_space<hbm>>
      %dma_wait3A_61 = arith.constant 0 : i32
      %dma_wait3A_62 = tpu.memref_slice %arg6[%mul3A_0, %dma_wait3A_61] : memref<10112x128xf32, #tpu.memory_space<vmem_shared>> -> memref<632x128xf32, #tpu.memory_space<vmem_shared>>
      tpu.wait_dma2 semaphore(%run_scoped3A_52 : memref<!tpu.dma_semaphore, #tpu.memory_space<semaphore_mem>>) src(%dma_wait3A_62 : memref<632x128xf32, #tpu.memory_space<vmem_shared>>) dst(%dma_wait3A_60 : memref<632x128xf32, #tpu.memory_space<hbm>>)
      tpu.yield
    }) : () -> ()
    return
  }
}

#map = affine_map<(d0, d1) -> (0, 0)>
#map1 = affine_map<(d0, d1) -> (0, 0, 0)>
module attributes {stable_mosaic.version = 14 : i64} {
  func.func @body(%arg0: i32, %arg1: i32, %arg2: memref<10000x128xf32, #tpu.memory_space<hbm>>, %arg3: memref<2528x2x128xi32, #tpu.memory_space<hbm>>, %arg4: memref<632x128xf32, #tpu.memory_space<hbm>>, %arg5: memref<2x10112x128xf32, #tpu.memory_space<hbm>>, %arg6: memref<10112x128xf32, #tpu.memory_space<vmem_shared>>, %arg7: memref<3x2x128xi32, #tpu.memory_space<vmem>>, %arg8: memref<3x128x128xf32, #tpu.memory_space<vmem>>, %arg9: memref<!tpu.dma_semaphore, #tpu.memory_space<semaphore_mem>>, %arg10: memref<!tpu.dma_semaphore, #tpu.memory_space<semaphore_mem>>, %arg11: memref<!tpu.dma_semaphore, #tpu.memory_space<semaphore_mem>>, %arg12: memref<!tpu.dma_semaphore, #tpu.memory_space<semaphore_mem>>) attributes {dimension_semantics = [#tpu.dimension_semantics<core_parallel>, #tpu.dimension_semantics<subcore_parallel>], iteration_bounds = array<i64: 2, 16>, scalar_prefetch = 0 : i64, scratch_operands = 7 : i64, tpu.core_type = #tpu.core_type<sc_vector_subcore>, window_params = [{transform_indices = #map}, {transform_indices = #map1}, {transform_indices = #map}, {transform_indices = #map1}]} {
    %mul3A = arith.constant 632 : i32
    %mul3A_0 = arith.muli %arg1, %mul3A : i32
    %dma_start3A = arith.constant 0 : i32
    %dma_start3A_1 = tpu.memref_slice %arg6[%mul3A_0, %dma_start3A] : memref<10112x128xf32, #tpu.memory_space<vmem_shared>> -> memref<632x128xf32, #tpu.memory_space<vmem_shared>>
    tpu.enqueue_dma source(%arg4 : memref<632x128xf32, #tpu.memory_space<hbm>>) target(%dma_start3A_1 : memref<632x128xf32, #tpu.memory_space<vmem_shared>>) target_semaphore(%arg12 : memref<!tpu.dma_semaphore, #tpu.memory_space<semaphore_mem>>)
    %mul3A_2 = arith.constant 2 : i32
    %mul3A_3 = arith.muli %arg1, %mul3A_2 : i32
    %add3A = arith.addi %mul3A_3, %arg0 : i32
    %mul3A_4 = arith.constant 79 : i32
    %mul3A_5 = arith.muli %add3A, %mul3A_4 : i32
    %run_scoped3A = arith.constant 0 : i32
    "tpu.region"() ({
      %run_scoped3A_52 = tpu.sem_alloc : memref<!tpu.dma_semaphore, #tpu.memory_space<semaphore_mem>>
      %dma_start3A_53 = arith.constant 0 : i32
      %dma_start3A_54 = arith.constant 0 : i32
      %dma_start3A_55 = tpu.memref_slice %arg7[%run_scoped3A, %dma_start3A_53, %dma_start3A_54] : memref<3x2x128xi32, #tpu.memory_space<vmem>> -> memref<1x2x128xi32, #tpu.memory_space<vmem>>
      %dma_start3A_56 = tpu.memref_squeeze %dma_start3A_55 : memref<1x2x128xi32, #tpu.memory_space<vmem>> -> memref<2x128xi32, #tpu.memory_space<vmem>>
      %dma_start3A_57 = arith.constant 0 : i32
      %dma_start3A_58 = arith.constant 0 : i32
      %dma_start3A_59 = tpu.memref_slice %arg3[%mul3A_5, %dma_start3A_57, %dma_start3A_58] : memref<2528x2x128xi32, #tpu.memory_space<hbm>> -> memref<1x2x128xi32, #tpu.memory_space<hbm>>
      %dma_start3A_60 = tpu.memref_squeeze %dma_start3A_59 : memref<1x2x128xi32, #tpu.memory_space<hbm>> -> memref<2x128xi32, #tpu.memory_space<hbm>>
      %dma_start3A_61 = arith.constant 0 : i32
      %dma_start3A_62 = arith.constant 0 : i32
      %dma_start3A_63 = tpu.memref_slice %arg7[%run_scoped3A, %dma_start3A_61, %dma_start3A_62] : memref<3x2x128xi32, #tpu.memory_space<vmem>> -> memref<1x2x128xi32, #tpu.memory_space<vmem>>
      %dma_start3A_64 = tpu.memref_squeeze %dma_start3A_63 : memref<1x2x128xi32, #tpu.memory_space<vmem>> -> memref<2x128xi32, #tpu.memory_space<vmem>>
      %dma_start3A_65 = arith.constant 0 : i32
      %dma_start3A_66 = arith.constant 0 : i32
      %dma_start3A_67 = tpu.memref_slice %arg3[%mul3A_5, %dma_start3A_65, %dma_start3A_66] : memref<2528x2x128xi32, #tpu.memory_space<hbm>> -> memref<1x2x128xi32, #tpu.memory_space<hbm>>
      %dma_start3A_68 = tpu.memref_squeeze %dma_start3A_67 : memref<1x2x128xi32, #tpu.memory_space<hbm>> -> memref<2x128xi32, #tpu.memory_space<hbm>>
      tpu.enqueue_dma source(%dma_start3A_68 : memref<2x128xi32, #tpu.memory_space<hbm>>) target(%dma_start3A_64 : memref<2x128xi32, #tpu.memory_space<vmem>>) target_semaphore(%run_scoped3A_52 : memref<!tpu.dma_semaphore, #tpu.memory_space<semaphore_mem>>)
      %dma_wait3A_69 = arith.constant 0 : i32
      %dma_wait3A_70 = arith.constant 0 : i32
      %dma_wait3A_71 = tpu.memref_slice %arg7[%run_scoped3A, %dma_wait3A_69, %dma_wait3A_70] : memref<3x2x128xi32, #tpu.memory_space<vmem>> -> memref<1x2x128xi32, #tpu.memory_space<vmem>>
      %dma_wait3A_72 = tpu.memref_squeeze %dma_wait3A_71 : memref<1x2x128xi32, #tpu.memory_space<vmem>> -> memref<2x128xi32, #tpu.memory_space<vmem>>
      %dma_wait3A_73 = arith.constant 0 : i32
      %dma_wait3A_74 = arith.constant 0 : i32
      %dma_wait3A_75 = tpu.memref_slice %arg3[%mul3A_5, %dma_wait3A_73, %dma_wait3A_74] : memref<2528x2x128xi32, #tpu.memory_space<hbm>> -> memref<1x2x128xi32, #tpu.memory_space<hbm>>
      %dma_wait3A_76 = tpu.memref_squeeze %dma_wait3A_75 : memref<1x2x128xi32, #tpu.memory_space<hbm>> -> memref<2x128xi32, #tpu.memory_space<hbm>>
      %dma_wait3A_77 = arith.constant 0 : i32
      %dma_wait3A_78 = arith.constant 0 : i32
      %dma_wait3A_79 = tpu.memref_slice %arg7[%run_scoped3A, %dma_wait3A_77, %dma_wait3A_78] : memref<3x2x128xi32, #tpu.memory_space<vmem>> -> memref<1x2x128xi32, #tpu.memory_space<vmem>>
      %dma_wait3A_80 = tpu.memref_squeeze %dma_wait3A_79 : memref<1x2x128xi32, #tpu.memory_space<vmem>> -> memref<2x128xi32, #tpu.memory_space<vmem>>
      %dma_wait3A_81 = arith.constant 0 : i32
      %dma_wait3A_82 = arith.constant 0 : i32
      %dma_wait3A_83 = tpu.memref_slice %arg3[%mul3A_5, %dma_wait3A_81, %dma_wait3A_82] : memref<2528x2x128xi32, #tpu.memory_space<hbm>> -> memref<1x2x128xi32, #tpu.memory_space<hbm>>
      %dma_wait3A_84 = tpu.memref_squeeze %dma_wait3A_83 : memref<1x2x128xi32, #tpu.memory_space<hbm>> -> memref<2x128xi32, #tpu.memory_space<hbm>>
      tpu.wait_dma2 semaphore(%run_scoped3A_52 : memref<!tpu.dma_semaphore, #tpu.memory_space<semaphore_mem>>) src(%dma_wait3A_84 : memref<2x128xi32, #tpu.memory_space<hbm>>) dst(%dma_wait3A_80 : memref<2x128xi32, #tpu.memory_space<vmem>>)
      tpu.yield
    }) : () -> ()
    %dma_start3A_6 = arith.constant 0 : i32
    %dma_start3A_7 = arith.constant 0 : i32
    %dma_start3A_8 = arith.constant 0 : i32
    %dma_start3A_9 = arith.constant 0 : i32
    %dma_start3A_10 = arith.constant 0 : i32
    %dma_start3A_11 = tpu.memref_slice %arg8[%dma_start3A_8, %dma_start3A_9, %dma_start3A_10] : memref<3x128x128xf32, #tpu.memory_space<vmem>> -> memref<1x128x128xf32, #tpu.memory_space<vmem>>
    %dma_start3A_12 = tpu.memref_squeeze %dma_start3A_11 : memref<1x128x128xf32, #tpu.memory_space<vmem>> -> memref<128x128xf32, #tpu.memory_space<vmem>>
    %dma_start3A_13 = arith.constant 0 : i32
    %dma_start3A_14 = tpu.memref_slice %arg7[%dma_start3A_6, %dma_start3A_7, %dma_start3A_13] : memref<3x2x128xi32, #tpu.memory_space<vmem>> -> memref<1x1x128xi32, #tpu.memory_space<vmem>>
    %dma_start3A_15 = tpu.memref_squeeze %dma_start3A_14 : memref<1x1x128xi32, #tpu.memory_space<vmem>> -> memref<128xi32, #tpu.memory_space<vmem>>
    %dma_start3A_16 = arith.constant 0 : i32
    %dma_start3A_17 = arith.constant 0 : i32
    %dma_start3A_18 = tpu.memref_slice %arg2[%dma_start3A_16, %dma_start3A_17] : memref<10000x128xf32, #tpu.memory_space<hbm>> -> memref<10000x128xf32, #tpu.memory_space<hbm>>
    tpu.enqueue_indirect_dma source(%dma_start3A_18 : memref<10000x128xf32, #tpu.memory_space<hbm>>) target(%dma_start3A_12 : memref<128x128xf32, #tpu.memory_space<vmem>>) offsets(%dma_start3A_15 : memref<128xi32, #tpu.memory_space<vmem>>) semaphore(%arg9 : memref<!tpu.dma_semaphore, #tpu.memory_space<semaphore_mem>>)
    %dma_wait3A = arith.constant 0 : i32
    %dma_wait3A_19 = tpu.memref_slice %arg6[%mul3A_0, %dma_wait3A] : memref<10112x128xf32, #tpu.memory_space<vmem_shared>> -> memref<632x128xf32, #tpu.memory_space<vmem_shared>>
    tpu.wait_dma2 semaphore(%arg12 : memref<!tpu.dma_semaphore, #tpu.memory_space<semaphore_mem>>) src(%arg4 : memref<632x128xf32, #tpu.memory_space<hbm>>) dst(%dma_wait3A_19 : memref<632x128xf32, #tpu.memory_space<vmem_shared>>)
    %barrier3A = arith.constant 0 : index
    tpu.barrier barrier_id(%barrier3A)
    %scan3A = arith.constant 0 : i32
    %scan3A_20 = arith.constant 0 : i32
    %scan3A_21 = arith.constant 79 : i32
    %scan3A_22 = arith.addi %scan3A_20, %scan3A_21 : i32
    %scan3A_23 = arith.constant 1 : i32
    scf.for %scan3A_52 = %scan3A_20 to %scan3A_22 step %scan3A_23  : i32 {
      %rem3A = arith.constant 3 : i32
      %rem3A_53 = arith.remsi %scan3A_52, %rem3A : i32
      %add3A_54 = arith.constant 1 : i32
      %add3A_55 = arith.addi %scan3A_52, %add3A_54 : i32
      %rem3A_56 = arith.constant 3 : i32
      %rem3A_57 = arith.remsi %add3A_55, %rem3A_56 : i32
      %ge3A = arith.constant 2 : i32
      %ge3A_58 = arith.cmpi sge, %scan3A_52, %ge3A : i32
      %convert_element_type3A = arith.extui %ge3A_58 : i1 to i32
      %cond3A = arith.constant 0 : i32
      %cond3A_59 = arith.cmpi ne, %convert_element_type3A, %cond3A : i32
      scf.if %cond3A_59 {
        %dma_wait3A_95 = arith.constant 1 : i32
        %dma_wait3A_96 = arith.constant 0 : i32
        %dma_wait3A_97 = arith.constant 0 : i32
        %dma_wait3A_98 = tpu.memref_slice %arg8[%rem3A_57, %dma_wait3A_96, %dma_wait3A_97] : memref<3x128x128xf32, #tpu.memory_space<vmem>> -> memref<1x128x128xf32, #tpu.memory_space<vmem>>
        %dma_wait3A_99 = tpu.memref_squeeze %dma_wait3A_98 : memref<1x128x128xf32, #tpu.memory_space<vmem>> -> memref<128x128xf32, #tpu.memory_space<vmem>>
        %dma_wait3A_100 = arith.constant 0 : i32
        %dma_wait3A_101 = tpu.memref_slice %arg7[%rem3A_57, %dma_wait3A_95, %dma_wait3A_100] : memref<3x2x128xi32, #tpu.memory_space<vmem>> -> memref<1x1x128xi32, #tpu.memory_space<vmem>>
        %dma_wait3A_102 = tpu.memref_squeeze %dma_wait3A_101 : memref<1x1x128xi32, #tpu.memory_space<vmem>> -> memref<128xi32, #tpu.memory_space<vmem>>
        %dma_wait3A_103 = arith.constant 0 : i32
        %dma_wait3A_104 = arith.constant 0 : i32
        %dma_wait3A_105 = tpu.memref_slice %arg6[%dma_wait3A_103, %dma_wait3A_104] : memref<10112x128xf32, #tpu.memory_space<vmem_shared>> -> memref<10112x128xf32, #tpu.memory_space<vmem_shared>>
        tpu.wait_indirect_dma semaphore(%arg10 : memref<!tpu.dma_semaphore, #tpu.memory_space<semaphore_mem>>) src(%dma_wait3A_99 : memref<128x128xf32, #tpu.memory_space<vmem>>) dst(%dma_wait3A_105 : memref<10112x128xf32, #tpu.memory_space<vmem_shared>>)
      } else {
      }
      %add3A_60 = arith.constant 1 : i32
      %add3A_61 = arith.addi %scan3A_52, %add3A_60 : i32
      %lt3A = arith.constant 79 : i32
      %lt3A_62 = arith.cmpi slt, %add3A_61, %lt3A : i32
      %convert_element_type3A_63 = arith.extui %lt3A_62 : i1 to i32
      %cond3A_64 = arith.constant 0 : i32
      %cond3A_65 = arith.cmpi ne, %convert_element_type3A_63, %cond3A_64 : i32
      scf.if %cond3A_65 {
        %add3A_95 = arith.constant 1 : i32
        %add3A_96 = arith.addi %scan3A_52, %add3A_95 : i32
        %add3A_97 = arith.addi %mul3A_5, %add3A_96 : i32
        %dma_start3A_98 = arith.constant 0 : i32
        %dma_start3A_99 = arith.constant 0 : i32
        %dma_start3A_100 = tpu.memref_slice %arg7[%rem3A_57, %dma_start3A_98, %dma_start3A_99] : memref<3x2x128xi32, #tpu.memory_space<vmem>> -> memref<1x2x128xi32, #tpu.memory_space<vmem>>
        %dma_start3A_101 = tpu.memref_squeeze %dma_start3A_100 : memref<1x2x128xi32, #tpu.memory_space<vmem>> -> memref<2x128xi32, #tpu.memory_space<vmem>>
        %dma_start3A_102 = arith.constant 0 : i32
        %dma_start3A_103 = arith.constant 0 : i32
        %dma_start3A_104 = tpu.memref_slice %arg3[%add3A_97, %dma_start3A_102, %dma_start3A_103] : memref<2528x2x128xi32, #tpu.memory_space<hbm>> -> memref<1x2x128xi32, #tpu.memory_space<hbm>>
        %dma_start3A_105 = tpu.memref_squeeze %dma_start3A_104 : memref<1x2x128xi32, #tpu.memory_space<hbm>> -> memref<2x128xi32, #tpu.memory_space<hbm>>
        %dma_start3A_106 = arith.constant 0 : i32
        %dma_start3A_107 = arith.constant 0 : i32
        %dma_start3A_108 = tpu.memref_slice %arg7[%rem3A_57, %dma_start3A_106, %dma_start3A_107] : memref<3x2x128xi32, #tpu.memory_space<vmem>> -> memref<1x2x128xi32, #tpu.memory_space<vmem>>
        %dma_start3A_109 = tpu.memref_squeeze %dma_start3A_108 : memref<1x2x128xi32, #tpu.memory_space<vmem>> -> memref<2x128xi32, #tpu.memory_space<vmem>>
        %dma_start3A_110 = arith.constant 0 : i32
        %dma_start3A_111 = arith.constant 0 : i32
        %dma_start3A_112 = tpu.memref_slice %arg3[%add3A_97, %dma_start3A_110, %dma_start3A_111] : memref<2528x2x128xi32, #tpu.memory_space<hbm>> -> memref<1x2x128xi32, #tpu.memory_space<hbm>>
        %dma_start3A_113 = tpu.memref_squeeze %dma_start3A_112 : memref<1x2x128xi32, #tpu.memory_space<hbm>> -> memref<2x128xi32, #tpu.memory_space<hbm>>
        tpu.enqueue_dma source(%dma_start3A_113 : memref<2x128xi32, #tpu.memory_space<hbm>>) target(%dma_start3A_109 : memref<2x128xi32, #tpu.memory_space<vmem>>) target_semaphore(%arg11 : memref<!tpu.dma_semaphore, #tpu.memory_space<semaphore_mem>>)
      } else {
      }
      %dma_wait3A_66 = arith.constant 0 : i32
      %dma_wait3A_67 = arith.constant 0 : i32
      %dma_wait3A_68 = arith.constant 0 : i32
      %dma_wait3A_69 = tpu.memref_slice %arg8[%rem3A_53, %dma_wait3A_67, %dma_wait3A_68] : memref<3x128x128xf32, #tpu.memory_space<vmem>> -> memref<1x128x128xf32, #tpu.memory_space<vmem>>
      %dma_wait3A_70 = tpu.memref_squeeze %dma_wait3A_69 : memref<1x128x128xf32, #tpu.memory_space<vmem>> -> memref<128x128xf32, #tpu.memory_space<vmem>>
      %dma_wait3A_71 = arith.constant 0 : i32
      %dma_wait3A_72 = tpu.memref_slice %arg7[%rem3A_53, %dma_wait3A_66, %dma_wait3A_71] : memref<3x2x128xi32, #tpu.memory_space<vmem>> -> memref<1x1x128xi32, #tpu.memory_space<vmem>>
      %dma_wait3A_73 = tpu.memref_squeeze %dma_wait3A_72 : memref<1x1x128xi32, #tpu.memory_space<vmem>> -> memref<128xi32, #tpu.memory_space<vmem>>
      %dma_wait3A_74 = arith.constant 0 : i32
      %dma_wait3A_75 = arith.constant 0 : i32
      %dma_wait3A_76 = tpu.memref_slice %arg2[%dma_wait3A_74, %dma_wait3A_75] : memref<10000x128xf32, #tpu.memory_space<hbm>> -> memref<10000x128xf32, #tpu.memory_space<hbm>>
      tpu.wait_indirect_dma semaphore(%arg9 : memref<!tpu.dma_semaphore, #tpu.memory_space<semaphore_mem>>) src(%dma_wait3A_76 : memref<10000x128xf32, #tpu.memory_space<hbm>>) dst(%dma_wait3A_70 : memref<128x128xf32, #tpu.memory_space<vmem>>)
      %dma_start3A_77 = arith.constant 1 : i32
      %dma_start3A_78 = arith.constant 0 : i32
      %dma_start3A_79 = arith.constant 0 : i32
      %dma_start3A_80 = tpu.memref_slice %arg8[%rem3A_53, %dma_start3A_78, %dma_start3A_79] : memref<3x128x128xf32, #tpu.memory_space<vmem>> -> memref<1x128x128xf32, #tpu.memory_space<vmem>>
      %dma_start3A_81 = tpu.memref_squeeze %dma_start3A_80 : memref<1x128x128xf32, #tpu.memory_space<vmem>> -> memref<128x128xf32, #tpu.memory_space<vmem>>
      %dma_start3A_82 = arith.constant 0 : i32
      %dma_start3A_83 = tpu.memref_slice %arg7[%rem3A_53, %dma_start3A_77, %dma_start3A_82] : memref<3x2x128xi32, #tpu.memory_space<vmem>> -> memref<1x1x128xi32, #tpu.memory_space<vmem>>
      %dma_start3A_84 = tpu.memref_squeeze %dma_start3A_83 : memref<1x1x128xi32, #tpu.memory_space<vmem>> -> memref<128xi32, #tpu.memory_space<vmem>>
      %dma_start3A_85 = arith.constant 0 : i32
      %dma_start3A_86 = arith.constant 0 : i32
      %dma_start3A_87 = tpu.memref_slice %arg6[%dma_start3A_85, %dma_start3A_86] : memref<10112x128xf32, #tpu.memory_space<vmem_shared>> -> memref<10112x128xf32, #tpu.memory_space<vmem_shared>>
      tpu.enqueue_indirect_dma source(%dma_start3A_81 : memref<128x128xf32, #tpu.memory_space<vmem>>) target(%dma_start3A_87 : memref<10112x128xf32, #tpu.memory_space<vmem_shared>>) offsets(%dma_start3A_84 : memref<128xi32, #tpu.memory_space<vmem>>) semaphore(%arg10 : memref<!tpu.dma_semaphore, #tpu.memory_space<semaphore_mem>>) {add = true}
      %add3A_88 = arith.constant 1 : i32
      %add3A_89 = arith.addi %scan3A_52, %add3A_88 : i32
      %lt3A_90 = arith.constant 79 : i32
      %lt3A_91 = arith.cmpi slt, %add3A_89, %lt3A_90 : i32
      %convert_element_type3A_92 = arith.extui %lt3A_91 : i1 to i32
      %cond3A_93 = arith.constant 0 : i32
      %cond3A_94 = arith.cmpi ne, %convert_element_type3A_92, %cond3A_93 : i32
      scf.if %cond3A_94 {
        %add3A_95 = arith.constant 1 : i32
        %add3A_96 = arith.addi %scan3A_52, %add3A_95 : i32
        %add3A_97 = arith.addi %mul3A_5, %add3A_96 : i32
        %dma_wait3A_98 = arith.constant 0 : i32
        %dma_wait3A_99 = arith.constant 0 : i32
        %dma_wait3A_100 = tpu.memref_slice %arg7[%rem3A_57, %dma_wait3A_98, %dma_wait3A_99] : memref<3x2x128xi32, #tpu.memory_space<vmem>> -> memref<1x2x128xi32, #tpu.memory_space<vmem>>
        %dma_wait3A_101 = tpu.memref_squeeze %dma_wait3A_100 : memref<1x2x128xi32, #tpu.memory_space<vmem>> -> memref<2x128xi32, #tpu.memory_space<vmem>>
        %dma_wait3A_102 = arith.constant 0 : i32
        %dma_wait3A_103 = arith.constant 0 : i32
        %dma_wait3A_104 = tpu.memref_slice %arg3[%add3A_97, %dma_wait3A_102, %dma_wait3A_103] : memref<2528x2x128xi32, #tpu.memory_space<hbm>> -> memref<1x2x128xi32, #tpu.memory_space<hbm>>
        %dma_wait3A_105 = tpu.memref_squeeze %dma_wait3A_104 : memref<1x2x128xi32, #tpu.memory_space<hbm>> -> memref<2x128xi32, #tpu.memory_space<hbm>>
        %dma_wait3A_106 = arith.constant 0 : i32
        %dma_wait3A_107 = arith.constant 0 : i32
        %dma_wait3A_108 = tpu.memref_slice %arg7[%rem3A_57, %dma_wait3A_106, %dma_wait3A_107] : memref<3x2x128xi32, #tpu.memory_space<vmem>> -> memref<1x2x128xi32, #tpu.memory_space<vmem>>
        %dma_wait3A_109 = tpu.memref_squeeze %dma_wait3A_108 : memref<1x2x128xi32, #tpu.memory_space<vmem>> -> memref<2x128xi32, #tpu.memory_space<vmem>>
        %dma_wait3A_110 = arith.constant 0 : i32
        %dma_wait3A_111 = arith.constant 0 : i32
        %dma_wait3A_112 = tpu.memref_slice %arg3[%add3A_97, %dma_wait3A_110, %dma_wait3A_111] : memref<2528x2x128xi32, #tpu.memory_space<hbm>> -> memref<1x2x128xi32, #tpu.memory_space<hbm>>
        %dma_wait3A_113 = tpu.memref_squeeze %dma_wait3A_112 : memref<1x2x128xi32, #tpu.memory_space<hbm>> -> memref<2x128xi32, #tpu.memory_space<hbm>>
        tpu.wait_dma2 semaphore(%arg11 : memref<!tpu.dma_semaphore, #tpu.memory_space<semaphore_mem>>) src(%dma_wait3A_113 : memref<2x128xi32, #tpu.memory_space<hbm>>) dst(%dma_wait3A_109 : memref<2x128xi32, #tpu.memory_space<vmem>>)
        %dma_start3A_114 = arith.constant 0 : i32
        %dma_start3A_115 = arith.constant 0 : i32
        %dma_start3A_116 = arith.constant 0 : i32
        %dma_start3A_117 = tpu.memref_slice %arg8[%rem3A_57, %dma_start3A_115, %dma_start3A_116] : memref<3x128x128xf32, #tpu.memory_space<vmem>> -> memref<1x128x128xf32, #tpu.memory_space<vmem>>
        %dma_start3A_118 = tpu.memref_squeeze %dma_start3A_117 : memref<1x128x128xf32, #tpu.memory_space<vmem>> -> memref<128x128xf32, #tpu.memory_space<vmem>>
        %dma_start3A_119 = arith.constant 0 : i32
        %dma_start3A_120 = tpu.memref_slice %arg7[%rem3A_57, %dma_start3A_114, %dma_start3A_119] : memref<3x2x128xi32, #tpu.memory_space<vmem>> -> memref<1x1x128xi32, #tpu.memory_space<vmem>>
        %dma_start3A_121 = tpu.memref_squeeze %dma_start3A_120 : memref<1x1x128xi32, #tpu.memory_space<vmem>> -> memref<128xi32, #tpu.memory_space<vmem>>
        %dma_start3A_122 = arith.constant 0 : i32
        %dma_start3A_123 = arith.constant 0 : i32
        %dma_start3A_124 = tpu.memref_slice %arg2[%dma_start3A_122, %dma_start3A_123] : memref<10000x128xf32, #tpu.memory_space<hbm>> -> memref<10000x128xf32, #tpu.memory_space<hbm>>
        tpu.enqueue_indirect_dma source(%dma_start3A_124 : memref<10000x128xf32, #tpu.memory_space<hbm>>) target(%dma_start3A_118 : memref<128x128xf32, #tpu.memory_space<vmem>>) offsets(%dma_start3A_121 : memref<128xi32, #tpu.memory_space<vmem>>) semaphore(%arg9 : memref<!tpu.dma_semaphore, #tpu.memory_space<semaphore_mem>>)
      } else {
      }
    }
    %scan3A_24 = arith.constant 79 : i32
    %dma_wait3A_25 = arith.constant 2 : i32
    %dma_wait3A_26 = arith.constant 2 : i32
    %dma_wait3A_27 = arith.constant 1 : i32
    %dma_wait3A_28 = arith.constant 0 : i32
    %dma_wait3A_29 = arith.constant 0 : i32
    %dma_wait3A_30 = tpu.memref_slice %arg8[%dma_wait3A_25, %dma_wait3A_28, %dma_wait3A_29] : memref<3x128x128xf32, #tpu.memory_space<vmem>> -> memref<1x128x128xf32, #tpu.memory_space<vmem>>
    %dma_wait3A_31 = tpu.memref_squeeze %dma_wait3A_30 : memref<1x128x128xf32, #tpu.memory_space<vmem>> -> memref<128x128xf32, #tpu.memory_space<vmem>>
    %dma_wait3A_32 = arith.constant 0 : i32
    %dma_wait3A_33 = tpu.memref_slice %arg7[%dma_wait3A_26, %dma_wait3A_27, %dma_wait3A_32] : memref<3x2x128xi32, #tpu.memory_space<vmem>> -> memref<1x1x128xi32, #tpu.memory_space<vmem>>
    %dma_wait3A_34 = tpu.memref_squeeze %dma_wait3A_33 : memref<1x1x128xi32, #tpu.memory_space<vmem>> -> memref<128xi32, #tpu.memory_space<vmem>>
    %dma_wait3A_35 = arith.constant 0 : i32
    %dma_wait3A_36 = arith.constant 0 : i32
    %dma_wait3A_37 = tpu.memref_slice %arg6[%dma_wait3A_35, %dma_wait3A_36] : memref<10112x128xf32, #tpu.memory_space<vmem_shared>> -> memref<10112x128xf32, #tpu.memory_space<vmem_shared>>
    tpu.wait_indirect_dma semaphore(%arg10 : memref<!tpu.dma_semaphore, #tpu.memory_space<semaphore_mem>>) src(%dma_wait3A_31 : memref<128x128xf32, #tpu.memory_space<vmem>>) dst(%dma_wait3A_37 : memref<10112x128xf32, #tpu.memory_space<vmem_shared>>)
    %dma_wait3A_38 = arith.constant 0 : i32
    %dma_wait3A_39 = arith.constant 0 : i32
    %dma_wait3A_40 = arith.constant 1 : i32
    %dma_wait3A_41 = arith.constant 0 : i32
    %dma_wait3A_42 = arith.constant 0 : i32
    %dma_wait3A_43 = tpu.memref_slice %arg8[%dma_wait3A_38, %dma_wait3A_41, %dma_wait3A_42] : memref<3x128x128xf32, #tpu.memory_space<vmem>> -> memref<1x128x128xf32, #tpu.memory_space<vmem>>
    %dma_wait3A_44 = tpu.memref_squeeze %dma_wait3A_43 : memref<1x128x128xf32, #tpu.memory_space<vmem>> -> memref<128x128xf32, #tpu.memory_space<vmem>>
    %dma_wait3A_45 = arith.constant 0 : i32
    %dma_wait3A_46 = tpu.memref_slice %arg7[%dma_wait3A_39, %dma_wait3A_40, %dma_wait3A_45] : memref<3x2x128xi32, #tpu.memory_space<vmem>> -> memref<1x1x128xi32, #tpu.memory_space<vmem>>
    %dma_wait3A_47 = tpu.memref_squeeze %dma_wait3A_46 : memref<1x1x128xi32, #tpu.memory_space<vmem>> -> memref<128xi32, #tpu.memory_space<vmem>>
    %dma_wait3A_48 = arith.constant 0 : i32
    %dma_wait3A_49 = arith.constant 0 : i32
    %dma_wait3A_50 = tpu.memref_slice %arg6[%dma_wait3A_48, %dma_wait3A_49] : memref<10112x128xf32, #tpu.memory_space<vmem_shared>> -> memref<10112x128xf32, #tpu.memory_space<vmem_shared>>
    tpu.wait_indirect_dma semaphore(%arg10 : memref<!tpu.dma_semaphore, #tpu.memory_space<semaphore_mem>>) src(%dma_wait3A_44 : memref<128x128xf32, #tpu.memory_space<vmem>>) dst(%dma_wait3A_50 : memref<10112x128xf32, #tpu.memory_space<vmem_shared>>)
    %barrier3A_51 = arith.constant 0 : index
    tpu.barrier barrier_id(%barrier3A_51)
    "tpu.region"() ({
      %run_scoped3A_52 = tpu.sem_alloc : memref<!tpu.dma_semaphore, #tpu.memory_space<semaphore_mem>>
      %dma_start3A_53 = arith.constant 0 : i32
      %dma_start3A_54 = tpu.memref_slice %arg5[%arg0, %mul3A_0, %dma_start3A_53] : memref<2x10112x128xf32, #tpu.memory_space<hbm>> -> memref<1x632x128xf32, #tpu.memory_space<hbm>>
      %dma_start3A_55 = tpu.memref_squeeze %dma_start3A_54 : memref<1x632x128xf32, #tpu.memory_space<hbm>> -> memref<632x128xf32, #tpu.memory_space<hbm>>
      %dma_start3A_56 = arith.constant 0 : i32
      %dma_start3A_57 = tpu.memref_slice %arg6[%mul3A_0, %dma_start3A_56] : memref<10112x128xf32, #tpu.memory_space<vmem_shared>> -> memref<632x128xf32, #tpu.memory_space<vmem_shared>>
      tpu.enqueue_dma source(%dma_start3A_57 : memref<632x128xf32, #tpu.memory_space<vmem_shared>>) target(%dma_start3A_55 : memref<632x128xf32, #tpu.memory_space<hbm>>) target_semaphore(%run_scoped3A_52 : memref<!tpu.dma_semaphore, #tpu.memory_space<semaphore_mem>>)
      %dma_wait3A_58 = arith.constant 0 : i32
      %dma_wait3A_59 = tpu.memref_slice %arg5[%arg0, %mul3A_0, %dma_wait3A_58] : memref<2x10112x128xf32, #tpu.memory_space<hbm>> -> memref<1x632x128xf32, #tpu.memory_space<hbm>>
      %dma_wait3A_60 = tpu.memref_squeeze %dma_wait3A_59 : memref<1x632x128xf32, #tpu.memory_space<hbm>> -> memref<632x128xf32, #tpu.memory_space<hbm>>
      %dma_wait3A_61 = arith.constant 0 : i32
      %dma_wait3A_62 = tpu.memref_slice %arg6[%mul3A_0, %dma_wait3A_61] : memref<10112x128xf32, #tpu.memory_space<vmem_shared>> -> memref<632x128xf32, #tpu.memory_space<vmem_shared>>
      tpu.wait_dma2 semaphore(%run_scoped3A_52 : memref<!tpu.dma_semaphore, #tpu.memory_space<semaphore_mem>>) src(%dma_wait3A_62 : memref<632x128xf32, #tpu.memory_space<vmem_shared>>) dst(%dma_wait3A_60 : memref<632x128xf32, #tpu.memory_space<hbm>>)
      tpu.yield
    }) : () -> ()
    return
  }
}

#map = affine_map<(d0, d1) -> (0, 0)>
#map1 = affine_map<(d0, d1) -> (0, 0, 0)>
module attributes {stable_mosaic.version = 14 : i64} {
  func.func @body(%arg0: i32, %arg1: i32, %arg2: memref<10000x128xf32, #tpu.memory_space<hbm>>, %arg3: memref<2528x2x128xi32, #tpu.memory_space<hbm>>, %arg4: memref<632x128xf32, #tpu.memory_space<hbm>>, %arg5: memref<2x10112x128xf32, #tpu.memory_space<hbm>>, %arg6: memref<10112x128xf32, #tpu.memory_space<vmem_shared>>, %arg7: memref<3x2x128xi32, #tpu.memory_space<vmem>>, %arg8: memref<3x128x128xf32, #tpu.memory_space<vmem>>, %arg9: memref<!tpu.dma_semaphore, #tpu.memory_space<semaphore_mem>>, %arg10: memref<!tpu.dma_semaphore, #tpu.memory_space<semaphore_mem>>, %arg11: memref<!tpu.dma_semaphore, #tpu.memory_space<semaphore_mem>>, %arg12: memref<!tpu.dma_semaphore, #tpu.memory_space<semaphore_mem>>) attributes {dimension_semantics = [#tpu.dimension_semantics<core_parallel>, #tpu.dimension_semantics<subcore_parallel>], iteration_bounds = array<i64: 2, 16>, scalar_prefetch = 0 : i64, scratch_operands = 7 : i64, tpu.core_type = #tpu.core_type<sc_vector_subcore>, window_params = [{transform_indices = #map}, {transform_indices = #map1}, {transform_indices = #map}, {transform_indices = #map1}]} {
    %mul3A = arith.constant 632 : i32
    %mul3A_0 = arith.muli %arg1, %mul3A : i32
    %dma_start3A = arith.constant 0 : i32
    %dma_start3A_1 = tpu.memref_slice %arg6[%mul3A_0, %dma_start3A] : memref<10112x128xf32, #tpu.memory_space<vmem_shared>> -> memref<632x128xf32, #tpu.memory_space<vmem_shared>>
    tpu.enqueue_dma source(%arg4 : memref<632x128xf32, #tpu.memory_space<hbm>>) target(%dma_start3A_1 : memref<632x128xf32, #tpu.memory_space<vmem_shared>>) target_semaphore(%arg12 : memref<!tpu.dma_semaphore, #tpu.memory_space<semaphore_mem>>)
    %mul3A_2 = arith.constant 2 : i32
    %mul3A_3 = arith.muli %arg1, %mul3A_2 : i32
    %add3A = arith.addi %mul3A_3, %arg0 : i32
    %mul3A_4 = arith.constant 79 : i32
    %mul3A_5 = arith.muli %add3A, %mul3A_4 : i32
    %run_scoped3A = arith.constant 0 : i32
    "tpu.region"() ({
      %run_scoped3A_52 = tpu.sem_alloc : memref<!tpu.dma_semaphore, #tpu.memory_space<semaphore_mem>>
      %dma_start3A_53 = arith.constant 0 : i32
      %dma_start3A_54 = arith.constant 0 : i32
      %dma_start3A_55 = tpu.memref_slice %arg7[%run_scoped3A, %dma_start3A_53, %dma_start3A_54] : memref<3x2x128xi32, #tpu.memory_space<vmem>> -> memref<1x2x128xi32, #tpu.memory_space<vmem>>
      %dma_start3A_56 = tpu.memref_squeeze %dma_start3A_55 : memref<1x2x128xi32, #tpu.memory_space<vmem>> -> memref<2x128xi32, #tpu.memory_space<vmem>>
      %dma_start3A_57 = arith.constant 0 : i32
      %dma_start3A_58 = arith.constant 0 : i32
      %dma_start3A_59 = tpu.memref_slice %arg3[%mul3A_5, %dma_start3A_57, %dma_start3A_58] : memref<2528x2x128xi32, #tpu.memory_space<hbm>> -> memref<1x2x128xi32, #tpu.memory_space<hbm>>
      %dma_start3A_60 = tpu.memref_squeeze %dma_start3A_59 : memref<1x2x128xi32, #tpu.memory_space<hbm>> -> memref<2x128xi32, #tpu.memory_space<hbm>>
      %dma_start3A_61 = arith.constant 0 : i32
      %dma_start3A_62 = arith.constant 0 : i32
      %dma_start3A_63 = tpu.memref_slice %arg7[%run_scoped3A, %dma_start3A_61, %dma_start3A_62] : memref<3x2x128xi32, #tpu.memory_space<vmem>> -> memref<1x2x128xi32, #tpu.memory_space<vmem>>
      %dma_start3A_64 = tpu.memref_squeeze %dma_start3A_63 : memref<1x2x128xi32, #tpu.memory_space<vmem>> -> memref<2x128xi32, #tpu.memory_space<vmem>>
      %dma_start3A_65 = arith.constant 0 : i32
      %dma_start3A_66 = arith.constant 0 : i32
      %dma_start3A_67 = tpu.memref_slice %arg3[%mul3A_5, %dma_start3A_65, %dma_start3A_66] : memref<2528x2x128xi32, #tpu.memory_space<hbm>> -> memref<1x2x128xi32, #tpu.memory_space<hbm>>
      %dma_start3A_68 = tpu.memref_squeeze %dma_start3A_67 : memref<1x2x128xi32, #tpu.memory_space<hbm>> -> memref<2x128xi32, #tpu.memory_space<hbm>>
      tpu.enqueue_dma source(%dma_start3A_68 : memref<2x128xi32, #tpu.memory_space<hbm>>) target(%dma_start3A_64 : memref<2x128xi32, #tpu.memory_space<vmem>>) target_semaphore(%run_scoped3A_52 : memref<!tpu.dma_semaphore, #tpu.memory_space<semaphore_mem>>)
      %dma_wait3A_69 = arith.constant 0 : i32
      %dma_wait3A_70 = arith.constant 0 : i32
      %dma_wait3A_71 = tpu.memref_slice %arg7[%run_scoped3A, %dma_wait3A_69, %dma_wait3A_70] : memref<3x2x128xi32, #tpu.memory_space<vmem>> -> memref<1x2x128xi32, #tpu.memory_space<vmem>>
      %dma_wait3A_72 = tpu.memref_squeeze %dma_wait3A_71 : memref<1x2x128xi32, #tpu.memory_space<vmem>> -> memref<2x128xi32, #tpu.memory_space<vmem>>
      %dma_wait3A_73 = arith.constant 0 : i32
      %dma_wait3A_74 = arith.constant 0 : i32
      %dma_wait3A_75 = tpu.memref_slice %arg3[%mul3A_5, %dma_wait3A_73, %dma_wait3A_74] : memref<2528x2x128xi32, #tpu.memory_space<hbm>> -> memref<1x2x128xi32, #tpu.memory_space<hbm>>
      %dma_wait3A_76 = tpu.memref_squeeze %dma_wait3A_75 : memref<1x2x128xi32, #tpu.memory_space<hbm>> -> memref<2x128xi32, #tpu.memory_space<hbm>>
      %dma_wait3A_77 = arith.constant 0 : i32
      %dma_wait3A_78 = arith.constant 0 : i32
      %dma_wait3A_79 = tpu.memref_slice %arg7[%run_scoped3A, %dma_wait3A_77, %dma_wait3A_78] : memref<3x2x128xi32, #tpu.memory_space<vmem>> -> memref<1x2x128xi32, #tpu.memory_space<vmem>>
      %dma_wait3A_80 = tpu.memref_squeeze %dma_wait3A_79 : memref<1x2x128xi32, #tpu.memory_space<vmem>> -> memref<2x128xi32, #tpu.memory_space<vmem>>
      %dma_wait3A_81 = arith.constant 0 : i32
      %dma_wait3A_82 = arith.constant 0 : i32
      %dma_wait3A_83 = tpu.memref_slice %arg3[%mul3A_5, %dma_wait3A_81, %dma_wait3A_82] : memref<2528x2x128xi32, #tpu.memory_space<hbm>> -> memref<1x2x128xi32, #tpu.memory_space<hbm>>
      %dma_wait3A_84 = tpu.memref_squeeze %dma_wait3A_83 : memref<1x2x128xi32, #tpu.memory_space<hbm>> -> memref<2x128xi32, #tpu.memory_space<hbm>>
      tpu.wait_dma2 semaphore(%run_scoped3A_52 : memref<!tpu.dma_semaphore, #tpu.memory_space<semaphore_mem>>) src(%dma_wait3A_84 : memref<2x128xi32, #tpu.memory_space<hbm>>) dst(%dma_wait3A_80 : memref<2x128xi32, #tpu.memory_space<vmem>>)
      tpu.yield
    }) : () -> ()
    %dma_start3A_6 = arith.constant 0 : i32
    %dma_start3A_7 = arith.constant 0 : i32
    %dma_start3A_8 = arith.constant 0 : i32
    %dma_start3A_9 = arith.constant 0 : i32
    %dma_start3A_10 = arith.constant 0 : i32
    %dma_start3A_11 = tpu.memref_slice %arg8[%dma_start3A_8, %dma_start3A_9, %dma_start3A_10] : memref<3x128x128xf32, #tpu.memory_space<vmem>> -> memref<1x128x128xf32, #tpu.memory_space<vmem>>
    %dma_start3A_12 = tpu.memref_squeeze %dma_start3A_11 : memref<1x128x128xf32, #tpu.memory_space<vmem>> -> memref<128x128xf32, #tpu.memory_space<vmem>>
    %dma_start3A_13 = arith.constant 0 : i32
    %dma_start3A_14 = tpu.memref_slice %arg7[%dma_start3A_6, %dma_start3A_7, %dma_start3A_13] : memref<3x2x128xi32, #tpu.memory_space<vmem>> -> memref<1x1x128xi32, #tpu.memory_space<vmem>>
    %dma_start3A_15 = tpu.memref_squeeze %dma_start3A_14 : memref<1x1x128xi32, #tpu.memory_space<vmem>> -> memref<128xi32, #tpu.memory_space<vmem>>
    %dma_start3A_16 = arith.constant 0 : i32
    %dma_start3A_17 = arith.constant 0 : i32
    %dma_start3A_18 = tpu.memref_slice %arg2[%dma_start3A_16, %dma_start3A_17] : memref<10000x128xf32, #tpu.memory_space<hbm>> -> memref<10000x128xf32, #tpu.memory_space<hbm>>
    tpu.enqueue_indirect_dma source(%dma_start3A_18 : memref<10000x128xf32, #tpu.memory_space<hbm>>) target(%dma_start3A_12 : memref<128x128xf32, #tpu.memory_space<vmem>>) offsets(%dma_start3A_15 : memref<128xi32, #tpu.memory_space<vmem>>) semaphore(%arg9 : memref<!tpu.dma_semaphore, #tpu.memory_space<semaphore_mem>>)
    %dma_wait3A = arith.constant 0 : i32
    %dma_wait3A_19 = tpu.memref_slice %arg6[%mul3A_0, %dma_wait3A] : memref<10112x128xf32, #tpu.memory_space<vmem_shared>> -> memref<632x128xf32, #tpu.memory_space<vmem_shared>>
    tpu.wait_dma2 semaphore(%arg12 : memref<!tpu.dma_semaphore, #tpu.memory_space<semaphore_mem>>) src(%arg4 : memref<632x128xf32, #tpu.memory_space<hbm>>) dst(%dma_wait3A_19 : memref<632x128xf32, #tpu.memory_space<vmem_shared>>)
    %barrier3A = arith.constant 0 : index
    tpu.barrier barrier_id(%barrier3A)
    %scan3A = arith.constant 0 : i32
    %scan3A_20 = arith.constant 0 : i32
    %scan3A_21 = arith.constant 79 : i32
    %scan3A_22 = arith.addi %scan3A_20, %scan3A_21 : i32
    %scan3A_23 = arith.constant 1 : i32
    scf.for %scan3A_52 = %scan3A_20 to %scan3A_22 step %scan3A_23  : i32 {
      %rem3A = arith.constant 3 : i32
      %rem3A_53 = arith.remsi %scan3A_52, %rem3A : i32
      %add3A_54 = arith.constant 1 : i32
      %add3A_55 = arith.addi %scan3A_52, %add3A_54 : i32
      %rem3A_56 = arith.constant 3 : i32
      %rem3A_57 = arith.remsi %add3A_55, %rem3A_56 : i32
      %ge3A = arith.constant 2 : i32
      %ge3A_58 = arith.cmpi sge, %scan3A_52, %ge3A : i32
      %convert_element_type3A = arith.extui %ge3A_58 : i1 to i32
      %cond3A = arith.constant 0 : i32
      %cond3A_59 = arith.cmpi ne, %convert_element_type3A, %cond3A : i32
      scf.if %cond3A_59 {
        %dma_wait3A_95 = arith.constant 1 : i32
        %dma_wait3A_96 = arith.constant 0 : i32
        %dma_wait3A_97 = arith.constant 0 : i32
        %dma_wait3A_98 = tpu.memref_slice %arg8[%rem3A_57, %dma_wait3A_96, %dma_wait3A_97] : memref<3x128x128xf32, #tpu.memory_space<vmem>> -> memref<1x128x128xf32, #tpu.memory_space<vmem>>
        %dma_wait3A_99 = tpu.memref_squeeze %dma_wait3A_98 : memref<1x128x128xf32, #tpu.memory_space<vmem>> -> memref<128x128xf32, #tpu.memory_space<vmem>>
        %dma_wait3A_100 = arith.constant 0 : i32
        %dma_wait3A_101 = tpu.memref_slice %arg7[%rem3A_57, %dma_wait3A_95, %dma_wait3A_100] : memref<3x2x128xi32, #tpu.memory_space<vmem>> -> memref<1x1x128xi32, #tpu.memory_space<vmem>>
        %dma_wait3A_102 = tpu.memref_squeeze %dma_wait3A_101 : memref<1x1x128xi32, #tpu.memory_space<vmem>> -> memref<128xi32, #tpu.memory_space<vmem>>
        %dma_wait3A_103 = arith.constant 0 : i32
        %dma_wait3A_104 = arith.constant 0 : i32
        %dma_wait3A_105 = tpu.memref_slice %arg6[%dma_wait3A_103, %dma_wait3A_104] : memref<10112x128xf32, #tpu.memory_space<vmem_shared>> -> memref<10112x128xf32, #tpu.memory_space<vmem_shared>>
        tpu.wait_indirect_dma semaphore(%arg10 : memref<!tpu.dma_semaphore, #tpu.memory_space<semaphore_mem>>) src(%dma_wait3A_99 : memref<128x128xf32, #tpu.memory_space<vmem>>) dst(%dma_wait3A_105 : memref<10112x128xf32, #tpu.memory_space<vmem_shared>>)
      } else {
      }
      %add3A_60 = arith.constant 1 : i32
      %add3A_61 = arith.addi %scan3A_52, %add3A_60 : i32
      %lt3A = arith.constant 79 : i32
      %lt3A_62 = arith.cmpi slt, %add3A_61, %lt3A : i32
      %convert_element_type3A_63 = arith.extui %lt3A_62 : i1 to i32
      %cond3A_64 = arith.constant 0 : i32
      %cond3A_65 = arith.cmpi ne, %convert_element_type3A_63, %cond3A_64 : i32
      scf.if %cond3A_65 {
        %add3A_95 = arith.constant 1 : i32
        %add3A_96 = arith.addi %scan3A_52, %add3A_95 : i32
        %add3A_97 = arith.addi %mul3A_5, %add3A_96 : i32
        %dma_start3A_98 = arith.constant 0 : i32
        %dma_start3A_99 = arith.constant 0 : i32
        %dma_start3A_100 = tpu.memref_slice %arg7[%rem3A_57, %dma_start3A_98, %dma_start3A_99] : memref<3x2x128xi32, #tpu.memory_space<vmem>> -> memref<1x2x128xi32, #tpu.memory_space<vmem>>
        %dma_start3A_101 = tpu.memref_squeeze %dma_start3A_100 : memref<1x2x128xi32, #tpu.memory_space<vmem>> -> memref<2x128xi32, #tpu.memory_space<vmem>>
        %dma_start3A_102 = arith.constant 0 : i32
        %dma_start3A_103 = arith.constant 0 : i32
        %dma_start3A_104 = tpu.memref_slice %arg3[%add3A_97, %dma_start3A_102, %dma_start3A_103] : memref<2528x2x128xi32, #tpu.memory_space<hbm>> -> memref<1x2x128xi32, #tpu.memory_space<hbm>>
        %dma_start3A_105 = tpu.memref_squeeze %dma_start3A_104 : memref<1x2x128xi32, #tpu.memory_space<hbm>> -> memref<2x128xi32, #tpu.memory_space<hbm>>
        %dma_start3A_106 = arith.constant 0 : i32
        %dma_start3A_107 = arith.constant 0 : i32
        %dma_start3A_108 = tpu.memref_slice %arg7[%rem3A_57, %dma_start3A_106, %dma_start3A_107] : memref<3x2x128xi32, #tpu.memory_space<vmem>> -> memref<1x2x128xi32, #tpu.memory_space<vmem>>
        %dma_start3A_109 = tpu.memref_squeeze %dma_start3A_108 : memref<1x2x128xi32, #tpu.memory_space<vmem>> -> memref<2x128xi32, #tpu.memory_space<vmem>>
        %dma_start3A_110 = arith.constant 0 : i32
        %dma_start3A_111 = arith.constant 0 : i32
        %dma_start3A_112 = tpu.memref_slice %arg3[%add3A_97, %dma_start3A_110, %dma_start3A_111] : memref<2528x2x128xi32, #tpu.memory_space<hbm>> -> memref<1x2x128xi32, #tpu.memory_space<hbm>>
        %dma_start3A_113 = tpu.memref_squeeze %dma_start3A_112 : memref<1x2x128xi32, #tpu.memory_space<hbm>> -> memref<2x128xi32, #tpu.memory_space<hbm>>
        tpu.enqueue_dma source(%dma_start3A_113 : memref<2x128xi32, #tpu.memory_space<hbm>>) target(%dma_start3A_109 : memref<2x128xi32, #tpu.memory_space<vmem>>) target_semaphore(%arg11 : memref<!tpu.dma_semaphore, #tpu.memory_space<semaphore_mem>>)
      } else {
      }
      %dma_wait3A_66 = arith.constant 0 : i32
      %dma_wait3A_67 = arith.constant 0 : i32
      %dma_wait3A_68 = arith.constant 0 : i32
      %dma_wait3A_69 = tpu.memref_slice %arg8[%rem3A_53, %dma_wait3A_67, %dma_wait3A_68] : memref<3x128x128xf32, #tpu.memory_space<vmem>> -> memref<1x128x128xf32, #tpu.memory_space<vmem>>
      %dma_wait3A_70 = tpu.memref_squeeze %dma_wait3A_69 : memref<1x128x128xf32, #tpu.memory_space<vmem>> -> memref<128x128xf32, #tpu.memory_space<vmem>>
      %dma_wait3A_71 = arith.constant 0 : i32
      %dma_wait3A_72 = tpu.memref_slice %arg7[%rem3A_53, %dma_wait3A_66, %dma_wait3A_71] : memref<3x2x128xi32, #tpu.memory_space<vmem>> -> memref<1x1x128xi32, #tpu.memory_space<vmem>>
      %dma_wait3A_73 = tpu.memref_squeeze %dma_wait3A_72 : memref<1x1x128xi32, #tpu.memory_space<vmem>> -> memref<128xi32, #tpu.memory_space<vmem>>
      %dma_wait3A_74 = arith.constant 0 : i32
      %dma_wait3A_75 = arith.constant 0 : i32
      %dma_wait3A_76 = tpu.memref_slice %arg2[%dma_wait3A_74, %dma_wait3A_75] : memref<10000x128xf32, #tpu.memory_space<hbm>> -> memref<10000x128xf32, #tpu.memory_space<hbm>>
      tpu.wait_indirect_dma semaphore(%arg9 : memref<!tpu.dma_semaphore, #tpu.memory_space<semaphore_mem>>) src(%dma_wait3A_76 : memref<10000x128xf32, #tpu.memory_space<hbm>>) dst(%dma_wait3A_70 : memref<128x128xf32, #tpu.memory_space<vmem>>)
      %dma_start3A_77 = arith.constant 1 : i32
      %dma_start3A_78 = arith.constant 0 : i32
      %dma_start3A_79 = arith.constant 0 : i32
      %dma_start3A_80 = tpu.memref_slice %arg8[%rem3A_53, %dma_start3A_78, %dma_start3A_79] : memref<3x128x128xf32, #tpu.memory_space<vmem>> -> memref<1x128x128xf32, #tpu.memory_space<vmem>>
      %dma_start3A_81 = tpu.memref_squeeze %dma_start3A_80 : memref<1x128x128xf32, #tpu.memory_space<vmem>> -> memref<128x128xf32, #tpu.memory_space<vmem>>
      %dma_start3A_82 = arith.constant 0 : i32
      %dma_start3A_83 = tpu.memref_slice %arg7[%rem3A_53, %dma_start3A_77, %dma_start3A_82] : memref<3x2x128xi32, #tpu.memory_space<vmem>> -> memref<1x1x128xi32, #tpu.memory_space<vmem>>
      %dma_start3A_84 = tpu.memref_squeeze %dma_start3A_83 : memref<1x1x128xi32, #tpu.memory_space<vmem>> -> memref<128xi32, #tpu.memory_space<vmem>>
      %dma_start3A_85 = arith.constant 0 : i32
      %dma_start3A_86 = arith.constant 0 : i32
      %dma_start3A_87 = tpu.memref_slice %arg6[%dma_start3A_85, %dma_start3A_86] : memref<10112x128xf32, #tpu.memory_space<vmem_shared>> -> memref<10112x128xf32, #tpu.memory_space<vmem_shared>>
      tpu.enqueue_indirect_dma source(%dma_start3A_81 : memref<128x128xf32, #tpu.memory_space<vmem>>) target(%dma_start3A_87 : memref<10112x128xf32, #tpu.memory_space<vmem_shared>>) offsets(%dma_start3A_84 : memref<128xi32, #tpu.memory_space<vmem>>) semaphore(%arg10 : memref<!tpu.dma_semaphore, #tpu.memory_space<semaphore_mem>>) {add = true}
      %add3A_88 = arith.constant 1 : i32
      %add3A_89 = arith.addi %scan3A_52, %add3A_88 : i32
      %lt3A_90 = arith.constant 79 : i32
      %lt3A_91 = arith.cmpi slt, %add3A_89, %lt3A_90 : i32
      %convert_element_type3A_92 = arith.extui %lt3A_91 : i1 to i32
      %cond3A_93 = arith.constant 0 : i32
      %cond3A_94 = arith.cmpi ne, %convert_element_type3A_92, %cond3A_93 : i32
      scf.if %cond3A_94 {
        %add3A_95 = arith.constant 1 : i32
        %add3A_96 = arith.addi %scan3A_52, %add3A_95 : i32
        %add3A_97 = arith.addi %mul3A_5, %add3A_96 : i32
        %dma_wait3A_98 = arith.constant 0 : i32
        %dma_wait3A_99 = arith.constant 0 : i32
        %dma_wait3A_100 = tpu.memref_slice %arg7[%rem3A_57, %dma_wait3A_98, %dma_wait3A_99] : memref<3x2x128xi32, #tpu.memory_space<vmem>> -> memref<1x2x128xi32, #tpu.memory_space<vmem>>
        %dma_wait3A_101 = tpu.memref_squeeze %dma_wait3A_100 : memref<1x2x128xi32, #tpu.memory_space<vmem>> -> memref<2x128xi32, #tpu.memory_space<vmem>>
        %dma_wait3A_102 = arith.constant 0 : i32
        %dma_wait3A_103 = arith.constant 0 : i32
        %dma_wait3A_104 = tpu.memref_slice %arg3[%add3A_97, %dma_wait3A_102, %dma_wait3A_103] : memref<2528x2x128xi32, #tpu.memory_space<hbm>> -> memref<1x2x128xi32, #tpu.memory_space<hbm>>
        %dma_wait3A_105 = tpu.memref_squeeze %dma_wait3A_104 : memref<1x2x128xi32, #tpu.memory_space<hbm>> -> memref<2x128xi32, #tpu.memory_space<hbm>>
        %dma_wait3A_106 = arith.constant 0 : i32
        %dma_wait3A_107 = arith.constant 0 : i32
        %dma_wait3A_108 = tpu.memref_slice %arg7[%rem3A_57, %dma_wait3A_106, %dma_wait3A_107] : memref<3x2x128xi32, #tpu.memory_space<vmem>> -> memref<1x2x128xi32, #tpu.memory_space<vmem>>
        %dma_wait3A_109 = tpu.memref_squeeze %dma_wait3A_108 : memref<1x2x128xi32, #tpu.memory_space<vmem>> -> memref<2x128xi32, #tpu.memory_space<vmem>>
        %dma_wait3A_110 = arith.constant 0 : i32
        %dma_wait3A_111 = arith.constant 0 : i32
        %dma_wait3A_112 = tpu.memref_slice %arg3[%add3A_97, %dma_wait3A_110, %dma_wait3A_111] : memref<2528x2x128xi32, #tpu.memory_space<hbm>> -> memref<1x2x128xi32, #tpu.memory_space<hbm>>
        %dma_wait3A_113 = tpu.memref_squeeze %dma_wait3A_112 : memref<1x2x128xi32, #tpu.memory_space<hbm>> -> memref<2x128xi32, #tpu.memory_space<hbm>>
        tpu.wait_dma2 semaphore(%arg11 : memref<!tpu.dma_semaphore, #tpu.memory_space<semaphore_mem>>) src(%dma_wait3A_113 : memref<2x128xi32, #tpu.memory_space<hbm>>) dst(%dma_wait3A_109 : memref<2x128xi32, #tpu.memory_space<vmem>>)
        %dma_start3A_114 = arith.constant 0 : i32
        %dma_start3A_115 = arith.constant 0 : i32
        %dma_start3A_116 = arith.constant 0 : i32
        %dma_start3A_117 = tpu.memref_slice %arg8[%rem3A_57, %dma_start3A_115, %dma_start3A_116] : memref<3x128x128xf32, #tpu.memory_space<vmem>> -> memref<1x128x128xf32, #tpu.memory_space<vmem>>
        %dma_start3A_118 = tpu.memref_squeeze %dma_start3A_117 : memref<1x128x128xf32, #tpu.memory_space<vmem>> -> memref<128x128xf32, #tpu.memory_space<vmem>>
        %dma_start3A_119 = arith.constant 0 : i32
        %dma_start3A_120 = tpu.memref_slice %arg7[%rem3A_57, %dma_start3A_114, %dma_start3A_119] : memref<3x2x128xi32, #tpu.memory_space<vmem>> -> memref<1x1x128xi32, #tpu.memory_space<vmem>>
        %dma_start3A_121 = tpu.memref_squeeze %dma_start3A_120 : memref<1x1x128xi32, #tpu.memory_space<vmem>> -> memref<128xi32, #tpu.memory_space<vmem>>
        %dma_start3A_122 = arith.constant 0 : i32
        %dma_start3A_123 = arith.constant 0 : i32
        %dma_start3A_124 = tpu.memref_slice %arg2[%dma_start3A_122, %dma_start3A_123] : memref<10000x128xf32, #tpu.memory_space<hbm>> -> memref<10000x128xf32, #tpu.memory_space<hbm>>
        tpu.enqueue_indirect_dma source(%dma_start3A_124 : memref<10000x128xf32, #tpu.memory_space<hbm>>) target(%dma_start3A_118 : memref<128x128xf32, #tpu.memory_space<vmem>>) offsets(%dma_start3A_121 : memref<128xi32, #tpu.memory_space<vmem>>) semaphore(%arg9 : memref<!tpu.dma_semaphore, #tpu.memory_space<semaphore_mem>>)
      } else {
      }
    }
    %scan3A_24 = arith.constant 79 : i32
    %dma_wait3A_25 = arith.constant 2 : i32
    %dma_wait3A_26 = arith.constant 2 : i32
    %dma_wait3A_27 = arith.constant 1 : i32
    %dma_wait3A_28 = arith.constant 0 : i32
    %dma_wait3A_29 = arith.constant 0 : i32
    %dma_wait3A_30 = tpu.memref_slice %arg8[%dma_wait3A_25, %dma_wait3A_28, %dma_wait3A_29] : memref<3x128x128xf32, #tpu.memory_space<vmem>> -> memref<1x128x128xf32, #tpu.memory_space<vmem>>
    %dma_wait3A_31 = tpu.memref_squeeze %dma_wait3A_30 : memref<1x128x128xf32, #tpu.memory_space<vmem>> -> memref<128x128xf32, #tpu.memory_space<vmem>>
    %dma_wait3A_32 = arith.constant 0 : i32
    %dma_wait3A_33 = tpu.memref_slice %arg7[%dma_wait3A_26, %dma_wait3A_27, %dma_wait3A_32] : memref<3x2x128xi32, #tpu.memory_space<vmem>> -> memref<1x1x128xi32, #tpu.memory_space<vmem>>
    %dma_wait3A_34 = tpu.memref_squeeze %dma_wait3A_33 : memref<1x1x128xi32, #tpu.memory_space<vmem>> -> memref<128xi32, #tpu.memory_space<vmem>>
    %dma_wait3A_35 = arith.constant 0 : i32
    %dma_wait3A_36 = arith.constant 0 : i32
    %dma_wait3A_37 = tpu.memref_slice %arg6[%dma_wait3A_35, %dma_wait3A_36] : memref<10112x128xf32, #tpu.memory_space<vmem_shared>> -> memref<10112x128xf32, #tpu.memory_space<vmem_shared>>
    tpu.wait_indirect_dma semaphore(%arg10 : memref<!tpu.dma_semaphore, #tpu.memory_space<semaphore_mem>>) src(%dma_wait3A_31 : memref<128x128xf32, #tpu.memory_space<vmem>>) dst(%dma_wait3A_37 : memref<10112x128xf32, #tpu.memory_space<vmem_shared>>)
    %dma_wait3A_38 = arith.constant 0 : i32
    %dma_wait3A_39 = arith.constant 0 : i32
    %dma_wait3A_40 = arith.constant 1 : i32
    %dma_wait3A_41 = arith.constant 0 : i32
    %dma_wait3A_42 = arith.constant 0 : i32
    %dma_wait3A_43 = tpu.memref_slice %arg8[%dma_wait3A_38, %dma_wait3A_41, %dma_wait3A_42] : memref<3x128x128xf32, #tpu.memory_space<vmem>> -> memref<1x128x128xf32, #tpu.memory_space<vmem>>
    %dma_wait3A_44 = tpu.memref_squeeze %dma_wait3A_43 : memref<1x128x128xf32, #tpu.memory_space<vmem>> -> memref<128x128xf32, #tpu.memory_space<vmem>>
    %dma_wait3A_45 = arith.constant 0 : i32
    %dma_wait3A_46 = tpu.memref_slice %arg7[%dma_wait3A_39, %dma_wait3A_40, %dma_wait3A_45] : memref<3x2x128xi32, #tpu.memory_space<vmem>> -> memref<1x1x128xi32, #tpu.memory_space<vmem>>
    %dma_wait3A_47 = tpu.memref_squeeze %dma_wait3A_46 : memref<1x1x128xi32, #tpu.memory_space<vmem>> -> memref<128xi32, #tpu.memory_space<vmem>>
    %dma_wait3A_48 = arith.constant 0 : i32
    %dma_wait3A_49 = arith.constant 0 : i32
    %dma_wait3A_50 = tpu.memref_slice %arg6[%dma_wait3A_48, %dma_wait3A_49] : memref<10112x128xf32, #tpu.memory_space<vmem_shared>> -> memref<10112x128xf32, #tpu.memory_space<vmem_shared>>
    tpu.wait_indirect_dma semaphore(%arg10 : memref<!tpu.dma_semaphore, #tpu.memory_space<semaphore_mem>>) src(%dma_wait3A_44 : memref<128x128xf32, #tpu.memory_space<vmem>>) dst(%dma_wait3A_50 : memref<10112x128xf32, #tpu.memory_space<vmem_shared>>)
    %barrier3A_51 = arith.constant 0 : index
    tpu.barrier barrier_id(%barrier3A_51)
    "tpu.region"() ({
      %run_scoped3A_52 = tpu.sem_alloc : memref<!tpu.dma_semaphore, #tpu.memory_space<semaphore_mem>>
      %dma_start3A_53 = arith.constant 0 : i32
      %dma_start3A_54 = tpu.memref_slice %arg5[%arg0, %mul3A_0, %dma_start3A_53] : memref<2x10112x128xf32, #tpu.memory_space<hbm>> -> memref<1x632x128xf32, #tpu.memory_space<hbm>>
      %dma_start3A_55 = tpu.memref_squeeze %dma_start3A_54 : memref<1x632x128xf32, #tpu.memory_space<hbm>> -> memref<632x128xf32, #tpu.memory_space<hbm>>
      %dma_start3A_56 = arith.constant 0 : i32
      %dma_start3A_57 = tpu.memref_slice %arg6[%mul3A_0, %dma_start3A_56] : memref<10112x128xf32, #tpu.memory_space<vmem_shared>> -> memref<632x128xf32, #tpu.memory_space<vmem_shared>>
      tpu.enqueue_dma source(%dma_start3A_57 : memref<632x128xf32, #tpu.memory_space<vmem_shared>>) target(%dma_start3A_55 : memref<632x128xf32, #tpu.memory_space<hbm>>) target_semaphore(%run_scoped3A_52 : memref<!tpu.dma_semaphore, #tpu.memory_space<semaphore_mem>>)
      %dma_wait3A_58 = arith.constant 0 : i32
      %dma_wait3A_59 = tpu.memref_slice %arg5[%arg0, %mul3A_0, %dma_wait3A_58] : memref<2x10112x128xf32, #tpu.memory_space<hbm>> -> memref<1x632x128xf32, #tpu.memory_space<hbm>>
      %dma_wait3A_60 = tpu.memref_squeeze %dma_wait3A_59 : memref<1x632x128xf32, #tpu.memory_space<hbm>> -> memref<632x128xf32, #tpu.memory_space<hbm>>
      %dma_wait3A_61 = arith.constant 0 : i32
      %dma_wait3A_62 = tpu.memref_slice %arg6[%mul3A_0, %dma_wait3A_61] : memref<10112x128xf32, #tpu.memory_space<vmem_shared>> -> memref<632x128xf32, #tpu.memory_space<vmem_shared>>
      tpu.wait_dma2 semaphore(%run_scoped3A_52 : memref<!tpu.dma_semaphore, #tpu.memory_space<semaphore_mem>>) src(%dma_wait3A_62 : memref<632x128xf32, #tpu.memory_space<vmem_shared>>) dst(%dma_wait3A_60 : memref<632x128xf32, #tpu.memory_space<hbm>>)
      tpu.yield
    }) : () -> ()
    return
  }
}

module attributes {stable_mosaic.version = 14 : i64} {
  func.func @body(%arg0: memref<10000x128xf32, #tpu.memory_space<vmem>>, %arg1: memref<2x10112x128xf32, #tpu.memory_space<vmem>>, %arg2: memref<128x128xf32, #tpu.memory_space<vmem>>, %arg3: memref<1x128xf32, #tpu.memory_space<vmem>>, %arg4: memref<128x128xf32, #tpu.memory_space<vmem>>, %arg5: memref<1x128xf32, #tpu.memory_space<vmem>>, %arg6: memref<1x128xf32, #tpu.memory_space<vmem>>, %arg7: memref<1x128xf32, #tpu.memory_space<vmem>>, %arg8: memref<10000x128xf32, #tpu.memory_space<vmem>>) attributes {dimension_semantics = [], scalar_prefetch = 0 : i64, scratch_operands = 0 : i64, tpu.core_type = #tpu.core_type<tc>} {
    %get3A = arith.constant 0 : index
    %get3A_0 = arith.constant 0 : index
    %get3A_1 = vector.load %arg0[%get3A, %get3A_0] : memref<10000x128xf32, #tpu.memory_space<vmem>>, vector<10000x128xf32>
    %get3A_2 = arith.constant 0 : index
    %get3A_3 = arith.constant 0 : index
    %get3A_4 = arith.constant 0 : index
    %get3A_5 = vector.load %arg1[%get3A_2, %get3A_3, %get3A_4] : memref<2x10112x128xf32, #tpu.memory_space<vmem>>, vector<1x10000x128xf32>
    %get3A_6 = vector.shape_cast %get3A_5 : vector<1x10000x128xf32> to vector<10000x128xf32>
    %add3A = arith.addf %get3A_1, %get3A_6 : vector<10000x128xf32>
    %get3A_7 = arith.constant 1 : index
    %get3A_8 = arith.constant 0 : index
    %get3A_9 = arith.constant 0 : index
    %get3A_10 = vector.load %arg1[%get3A_7, %get3A_8, %get3A_9] : memref<2x10112x128xf32, #tpu.memory_space<vmem>>, vector<1x10000x128xf32>
    %get3A_11 = vector.shape_cast %get3A_10 : vector<1x10000x128xf32> to vector<10000x128xf32>
    %add3A_12 = arith.addf %add3A, %get3A_11 : vector<10000x128xf32>
    %get3A_13 = arith.constant 0 : index
    %get3A_14 = arith.constant 0 : index
    %get3A_15 = vector.load %arg2[%get3A_13, %get3A_14] : memref<128x128xf32, #tpu.memory_space<vmem>>, vector<128x128xf32>
    %dot_general3A = arith.constant dense<0.000000e+00> : vector<10000x128xf32>
    %dot_general3A_16 = tpu.matmul %add3A_12, %get3A_15, %dot_general3A {dimension_numbers = #tpu.dot_dimension_numbers<[1], [0], [0], [1], [0, 0, 1, 1], [], []>, transpose_lhs_hint = false} : vector<10000x128xf32>, vector<128x128xf32>, vector<10000x128xf32> -> vector<10000x128xf32>
    %get3A_17 = arith.constant 0 : index
    %get3A_18 = arith.constant 0 : index
    %get3A_19 = vector.load %arg3[%get3A_17, %get3A_18] : memref<1x128xf32, #tpu.memory_space<vmem>>, vector<1x128xf32>
    %add3A_20 = vector.broadcast %get3A_19 : vector<1x128xf32> to vector<10000x128xf32>
    %add3A_21 = arith.addf %dot_general3A_16, %add3A_20 : vector<10000x128xf32>
    %max3A = arith.constant 0.000000e+00 : f32
    %max3A_22 = vector.broadcast %max3A : f32 to vector<10000x128xf32>
    %max3A_23 = arith.maximumf %add3A_21, %max3A_22 : vector<10000x128xf32>
    %get3A_24 = arith.constant 0 : index
    %get3A_25 = arith.constant 0 : index
    %get3A_26 = vector.load %arg4[%get3A_24, %get3A_25] : memref<128x128xf32, #tpu.memory_space<vmem>>, vector<128x128xf32>
    %dot_general3A_27 = arith.constant dense<0.000000e+00> : vector<10000x128xf32>
    %dot_general3A_28 = tpu.matmul %max3A_23, %get3A_26, %dot_general3A_27 {dimension_numbers = #tpu.dot_dimension_numbers<[1], [0], [0], [1], [0, 0, 1, 1], [], []>, transpose_lhs_hint = false} : vector<10000x128xf32>, vector<128x128xf32>, vector<10000x128xf32> -> vector<10000x128xf32>
    %get3A_29 = arith.constant 0 : index
    %get3A_30 = arith.constant 0 : index
    %get3A_31 = vector.load %arg5[%get3A_29, %get3A_30] : memref<1x128xf32, #tpu.memory_space<vmem>>, vector<1x128xf32>
    %add3A_32 = vector.broadcast %get3A_31 : vector<1x128xf32> to vector<10000x128xf32>
    %add3A_33 = arith.addf %dot_general3A_28, %add3A_32 : vector<10000x128xf32>
    %reduce_sum3A = arith.constant dense<0.000000e+00> : vector<128xf32>
    %reduce_sum3A_34 = vector.multi_reduction <add>, %add3A_33, %reduce_sum3A [0] : vector<10000x128xf32> to vector<128xf32>
    %broadcast_in_dim3A = vector.shape_cast %reduce_sum3A_34 : vector<128xf32> to vector<1x128xf32>
    %div3A = arith.constant 1.000000e+04 : f32
    %div3A_35 = vector.broadcast %div3A : f32 to vector<1x128xf32>
    %div3A_36 = arith.divf %broadcast_in_dim3A, %div3A_35 : vector<1x128xf32>
    %sub3A = vector.broadcast %div3A_36 : vector<1x128xf32> to vector<10000x128xf32>
    %sub3A_37 = arith.subf %add3A_33, %sub3A : vector<10000x128xf32>
    %mul3A = arith.mulf %sub3A_37, %sub3A_37 : vector<10000x128xf32>
    %reduce_sum3A_38 = arith.constant dense<0.000000e+00> : vector<128xf32>
    %reduce_sum3A_39 = vector.multi_reduction <add>, %mul3A, %reduce_sum3A_38 [0] : vector<10000x128xf32> to vector<128xf32>
    %broadcast_in_dim3A_40 = vector.shape_cast %reduce_sum3A_39 : vector<128xf32> to vector<1x128xf32>
    %div3A_41 = arith.constant 1.000000e+04 : f32
    %div3A_42 = vector.broadcast %div3A_41 : f32 to vector<1x128xf32>
    %div3A_43 = arith.divf %broadcast_in_dim3A_40, %div3A_42 : vector<1x128xf32>
    %add3A_44 = arith.constant 9.99999974E-6 : f32
    %add3A_45 = vector.broadcast %add3A_44 : f32 to vector<1x128xf32>
    %add3A_46 = arith.addf %div3A_43, %add3A_45 : vector<1x128xf32>
    %sqrt3A = math.sqrt %add3A_46 : vector<1x128xf32>
    %div3A_47 = vector.broadcast %sqrt3A : vector<1x128xf32> to vector<10000x128xf32>
    %div3A_48 = arith.divf %sub3A_37, %div3A_47 : vector<10000x128xf32>
    %get3A_49 = arith.constant 0 : index
    %get3A_50 = arith.constant 0 : index
    %get3A_51 = vector.load %arg6[%get3A_49, %get3A_50] : memref<1x128xf32, #tpu.memory_space<vmem>>, vector<1x128xf32>
    %mul3A_52 = vector.broadcast %get3A_51 : vector<1x128xf32> to vector<10000x128xf32>
    %mul3A_53 = arith.mulf %div3A_48, %mul3A_52 : vector<10000x128xf32>
    %get3A_54 = arith.constant 0 : index
    %get3A_55 = arith.constant 0 : index
    %get3A_56 = vector.load %arg7[%get3A_54, %get3A_55] : memref<1x128xf32, #tpu.memory_space<vmem>>, vector<1x128xf32>
    %add3A_57 = vector.broadcast %get3A_56 : vector<1x128xf32> to vector<10000x128xf32>
    %add3A_58 = arith.addf %mul3A_53, %add3A_57 : vector<10000x128xf32>
    %max3A_59 = arith.constant 0.000000e+00 : f32
    %max3A_60 = vector.broadcast %max3A_59 : f32 to vector<10000x128xf32>
    %max3A_61 = arith.maximumf %add3A_58, %max3A_60 : vector<10000x128xf32>
    %swap3A = arith.constant 0 : index
    %swap3A_62 = arith.constant 0 : index
    %swap3A_63 = vector.load %arg8[%swap3A, %swap3A_62] : memref<10000x128xf32, #tpu.memory_space<vmem>>, vector<10000x128xf32>
    tpu.vector_store %arg8[%swap3A, %swap3A_62], %max3A_61 {strides = array<i32>} : memref<10000x128xf32, #tpu.memory_space<vmem>>, vector<10000x128xf32>,
    return
  }
}

module attributes {stable_mosaic.version = 14 : i64} {
  func.func @body(%arg0: memref<10000x128xf32, #tpu.memory_space<vmem>>, %arg1: memref<2x10112x128xf32, #tpu.memory_space<vmem>>, %arg2: memref<128x128xf32, #tpu.memory_space<vmem>>, %arg3: memref<1x128xf32, #tpu.memory_space<vmem>>, %arg4: memref<128x128xf32, #tpu.memory_space<vmem>>, %arg5: memref<1x128xf32, #tpu.memory_space<vmem>>, %arg6: memref<1x128xf32, #tpu.memory_space<vmem>>, %arg7: memref<1x128xf32, #tpu.memory_space<vmem>>, %arg8: memref<10000x128xf32, #tpu.memory_space<vmem>>) attributes {dimension_semantics = [], scalar_prefetch = 0 : i64, scratch_operands = 0 : i64, tpu.core_type = #tpu.core_type<tc>} {
    %get3A = arith.constant 0 : index
    %get3A_0 = arith.constant 0 : index
    %get3A_1 = vector.load %arg0[%get3A, %get3A_0] : memref<10000x128xf32, #tpu.memory_space<vmem>>, vector<10000x128xf32>
    %get3A_2 = arith.constant 0 : index
    %get3A_3 = arith.constant 0 : index
    %get3A_4 = arith.constant 0 : index
    %get3A_5 = vector.load %arg1[%get3A_2, %get3A_3, %get3A_4] : memref<2x10112x128xf32, #tpu.memory_space<vmem>>, vector<1x10000x128xf32>
    %get3A_6 = vector.shape_cast %get3A_5 : vector<1x10000x128xf32> to vector<10000x128xf32>
    %add3A = arith.addf %get3A_1, %get3A_6 : vector<10000x128xf32>
    %get3A_7 = arith.constant 1 : index
    %get3A_8 = arith.constant 0 : index
    %get3A_9 = arith.constant 0 : index
    %get3A_10 = vector.load %arg1[%get3A_7, %get3A_8, %get3A_9] : memref<2x10112x128xf32, #tpu.memory_space<vmem>>, vector<1x10000x128xf32>
    %get3A_11 = vector.shape_cast %get3A_10 : vector<1x10000x128xf32> to vector<10000x128xf32>
    %add3A_12 = arith.addf %add3A, %get3A_11 : vector<10000x128xf32>
    %get3A_13 = arith.constant 0 : index
    %get3A_14 = arith.constant 0 : index
    %get3A_15 = vector.load %arg2[%get3A_13, %get3A_14] : memref<128x128xf32, #tpu.memory_space<vmem>>, vector<128x128xf32>
    %dot_general3A = arith.constant dense<0.000000e+00> : vector<10000x128xf32>
    %dot_general3A_16 = tpu.matmul %add3A_12, %get3A_15, %dot_general3A {dimension_numbers = #tpu.dot_dimension_numbers<[1], [0], [0], [1], [0, 0, 1, 1], [], []>, transpose_lhs_hint = false} : vector<10000x128xf32>, vector<128x128xf32>, vector<10000x128xf32> -> vector<10000x128xf32>
    %get3A_17 = arith.constant 0 : index
    %get3A_18 = arith.constant 0 : index
    %get3A_19 = vector.load %arg3[%get3A_17, %get3A_18] : memref<1x128xf32, #tpu.memory_space<vmem>>, vector<1x128xf32>
    %add3A_20 = vector.broadcast %get3A_19 : vector<1x128xf32> to vector<10000x128xf32>
    %add3A_21 = arith.addf %dot_general3A_16, %add3A_20 : vector<10000x128xf32>
    %max3A = arith.constant 0.000000e+00 : f32
    %max3A_22 = vector.broadcast %max3A : f32 to vector<10000x128xf32>
    %max3A_23 = arith.maximumf %add3A_21, %max3A_22 : vector<10000x128xf32>
    %get3A_24 = arith.constant 0 : index
    %get3A_25 = arith.constant 0 : index
    %get3A_26 = vector.load %arg4[%get3A_24, %get3A_25] : memref<128x128xf32, #tpu.memory_space<vmem>>, vector<128x128xf32>
    %dot_general3A_27 = arith.constant dense<0.000000e+00> : vector<10000x128xf32>
    %dot_general3A_28 = tpu.matmul %max3A_23, %get3A_26, %dot_general3A_27 {dimension_numbers = #tpu.dot_dimension_numbers<[1], [0], [0], [1], [0, 0, 1, 1], [], []>, transpose_lhs_hint = false} : vector<10000x128xf32>, vector<128x128xf32>, vector<10000x128xf32> -> vector<10000x128xf32>
    %get3A_29 = arith.constant 0 : index
    %get3A_30 = arith.constant 0 : index
    %get3A_31 = vector.load %arg5[%get3A_29, %get3A_30] : memref<1x128xf32, #tpu.memory_space<vmem>>, vector<1x128xf32>
    %add3A_32 = vector.broadcast %get3A_31 : vector<1x128xf32> to vector<10000x128xf32>
    %add3A_33 = arith.addf %dot_general3A_28, %add3A_32 : vector<10000x128xf32>
    %reduce_sum3A = arith.constant dense<0.000000e+00> : vector<128xf32>
    %reduce_sum3A_34 = vector.multi_reduction <add>, %add3A_33, %reduce_sum3A [0] : vector<10000x128xf32> to vector<128xf32>
    %broadcast_in_dim3A = vector.shape_cast %reduce_sum3A_34 : vector<128xf32> to vector<1x128xf32>
    %div3A = arith.constant 1.000000e+04 : f32
    %div3A_35 = vector.broadcast %div3A : f32 to vector<1x128xf32>
    %div3A_36 = arith.divf %broadcast_in_dim3A, %div3A_35 : vector<1x128xf32>
    %sub3A = vector.broadcast %div3A_36 : vector<1x128xf32> to vector<10000x128xf32>
    %sub3A_37 = arith.subf %add3A_33, %sub3A : vector<10000x128xf32>
    %mul3A = arith.mulf %sub3A_37, %sub3A_37 : vector<10000x128xf32>
    %reduce_sum3A_38 = arith.constant dense<0.000000e+00> : vector<128xf32>
    %reduce_sum3A_39 = vector.multi_reduction <add>, %mul3A, %reduce_sum3A_38 [0] : vector<10000x128xf32> to vector<128xf32>
    %broadcast_in_dim3A_40 = vector.shape_cast %reduce_sum3A_39 : vector<128xf32> to vector<1x128xf32>
    %div3A_41 = arith.constant 1.000000e+04 : f32
    %div3A_42 = vector.broadcast %div3A_41 : f32 to vector<1x128xf32>
    %div3A_43 = arith.divf %broadcast_in_dim3A_40, %div3A_42 : vector<1x128xf32>
    %add3A_44 = arith.constant 9.99999974E-6 : f32
    %add3A_45 = vector.broadcast %add3A_44 : f32 to vector<1x128xf32>
    %add3A_46 = arith.addf %div3A_43, %add3A_45 : vector<1x128xf32>
    %sqrt3A = math.sqrt %add3A_46 : vector<1x128xf32>
    %div3A_47 = vector.broadcast %sqrt3A : vector<1x128xf32> to vector<10000x128xf32>
    %div3A_48 = arith.divf %sub3A_37, %div3A_47 : vector<10000x128xf32>
    %get3A_49 = arith.constant 0 : index
    %get3A_50 = arith.constant 0 : index
    %get3A_51 = vector.load %arg6[%get3A_49, %get3A_50] : memref<1x128xf32, #tpu.memory_space<vmem>>, vector<1x128xf32>
    %mul3A_52 = vector.broadcast %get3A_51 : vector<1x128xf32> to vector<10000x128xf32>
    %mul3A_53 = arith.mulf %div3A_48, %mul3A_52 : vector<10000x128xf32>
    %get3A_54 = arith.constant 0 : index
    %get3A_55 = arith.constant 0 : index
    %get3A_56 = vector.load %arg7[%get3A_54, %get3A_55] : memref<1x128xf32, #tpu.memory_space<vmem>>, vector<1x128xf32>
    %add3A_57 = vector.broadcast %get3A_56 : vector<1x128xf32> to vector<10000x128xf32>
    %add3A_58 = arith.addf %mul3A_53, %add3A_57 : vector<10000x128xf32>
    %swap3A = arith.constant 0 : index
    %swap3A_59 = arith.constant 0 : index
    %swap3A_60 = vector.load %arg8[%swap3A, %swap3A_59] : memref<10000x128xf32, #tpu.memory_space<vmem>>, vector<10000x128xf32>
    tpu.vector_store %arg8[%swap3A, %swap3A_59], %add3A_58 {strides = array<i32>} : memref<10000x128xf32, #tpu.memory_space<vmem>>, vector<10000x128xf32>,
    return
  }
}

</mosaic_0001>

<sc_bundles>
// kernel: kernel.11.cloned.1.call-start
scs
__scs_entry_jumppad:
0x0: {  	(pc) =	sbr.rel $0x88, $3  }
0x1: {  	(tag) =	ssettag $0x0;
	lr =	simm.s32 $0x1  }
0x2: {  	[smem:$0x3F99] =	sst lr;
	_ =	strace $0xD0000000  }
0x3: {  	_ = 	snop  }
0x4: {  	_ = 	snop  }
0x5: {  	_ = 	snop  }
0x6: {  	_ = 	snop  }
0x7: {  	_ = 	snop  }
__scs_overlays_trampoline_lowered:
0x8: {  	[smem:$0x3FA8] =	sst s0  }
0x9: {  	[smem:$0x3FA9] =	sst s1  }
0xa: {  	[smem:$0x3FAA] =	sst s2  }
0xb: {  	[smem:$0x3FAB] =	sst s3  }
0xc: {  	[smem:$0x3FAC] =	sst s4  }
0xd: {  	[smem:$0x3FAD] =	sst s5  }
0xe: {  	[smem:$0x3FAE] =	sst s6  }
0xf: {  	[smem:$0x3FAF] =	sst s7  }
0x10: {  	[smem:$0x3FB0] =	sst s8  }
0x11: {  	[smem:$0x3FB1] =	sst s9;
	s0 =	simm.s32 @!p0 $0x0  }
0x12: {  	s1 =	sld [smem:$0x3F97];
	s0 =	simm.s32 @p0 $0x1  }
0x13: {  	[smem:$0x3FB2] =	sst s0;
	s0 =	simm.s32 @!p1 $0x0  }
0x14: {  	s2 =	sld [smem:$0x3F96];
	s0 =	simm.s32 @p1 $0x1  }
0x15: {  	[smem:$0x3FB3] =	sst s0;
	s0 =	simm.s32 @!p2 $0x0  }
0x16: {  	s3 =	sld [smem:$0x3FDB];
	s0 =	simm.s32 @p2 $0x1  }
0x17: {  	s4 =	simm.s32 $0x1BF5;
	[smem:$0x3FB5] =	sst s0  }
0x18: {  	s0 =	sld [smem:$0x3F98];
	_ =	swait.ge [sflag:s4], $0x0  }
0x19: {  	s7 =	sld [smem:$0x3F99]  }
0x1a: {  	s8 =	sadd.s32 $0xFFFFE003, lr  }
0x1b: {  	s9 =	sadd.s32 $0xFFFFFEF7, lr;
	s5 =	simm.s32 $0xFFFFFFFF;
	p2 =	slt.u32 s8, $0xFFFFF086  }
0x1c: {  	p1 =	slt.u32 s9, $0xF7A;
	s5 =	simm.s32 @!p2 $0x0  }
0x1d: {  	s5 =	simm.s32 @p1 $0x1;
	p0 =	seq.s32 s7, s2  }
0x1e: {  	s7 =	smul.u32 @!p0 $0xF7A, s2;
	p2 =	seq.s32 @!p0 s5, $0x0  }
0x1f: {  	s9 =	smul.u32 $0xF7A, s1;
	s8 =	simm.s32 @!p0 $0x1BF5;
	p2 =	por !p2, p0  }
0x20: {  	[sflag:s8] =	ssyncset.s32 @!p0 $0xFFFFF086;
	s6 =	sadd.s32 @!p0 s3, s7;
	s7 =	simm.s32 @!p0 $0x108  }
0x21: {  	s3 =	sadd.s32 s3, s9;
	s6 =	sadd.s32 @!p0 $0x88, s6;
	s7 =	simm.s32 @p2 $0x1082  }
0x22: {  	[simem:s7], [sflag:s8] =	dma.local @!p0 [hbm:s6], $0xF7A  }
0x23: {  	s9 =	sor.u32 $0xD0000000, s2;
	s6 =	simm.s32 $0x108;
	_ =	swait.ge @!p0 [sflag:s8], $0x0  }
0x24: {  	s3 =	sadd.s32 $0x88, s3;
	s6 =	simm.s32 @!p1 $0x1082;
	[sflag:s4] =	ssyncset.s32 $0xFFFFF086  }
0x25: {  	[simem:s6], [sflag:s4] =	dma.local [hbm:s3], $0xF7A  }
0x26: {  	[smem:$0x3F99] =	sst s1;
	(tag) =	ssettag s2;
	_ =	strace s9  }
0x27: {  	s1 =	sld [smem:$0x3FA9]  }
0x28: {  	s2 =	sld [smem:$0x3FAA]  }
0x29: {  	s4 =	sld [smem:$0x3FAC]  }
0x2a: {  	p0 =	seq.s32 s5, $0x0;
	s5 =	sld [smem:$0x3FAD]  }
0x2b: {  	s6 =	sld [smem:$0x3FAE]  }
0x2c: {  	s7 =	sld [smem:$0x3FAF]  }
0x2d: {  	s3 =	simm.s32 $0x108;
	s8 =	sld [smem:$0x3FB0]  }
0x2e: {  	s3 =	simm.s32 @!p0 $0x1082;
	s9 =	sld [smem:$0x3FB1]  }
0x2f: {  	lr =	sadd.s32 s0, s3;
	s0 =	sld [smem:$0x3FA8]  }
0x30: {  	s3 =	sld [smem:$0x3FAB]  }
0x31: {  	[smem:$0x3FB4] =	sst s10  }
0x32: {  	s10 =	sld [smem:$0x3FB2];
	_ =	sdelay $0x3  }
0x33: {  	p0 =	seq.s32 s10, $0x1;
	s10 =	sld [smem:$0x3FB4];
	_ =	sdelay $0x3  }
0x34: {  	[smem:$0x3FB4] =	sst s10  }
0x35: {  	s10 =	sld [smem:$0x3FB3];
	_ =	sdelay $0x3  }
0x36: {  	p1 =	seq.s32 s10, $0x1;
	s10 =	sld [smem:$0x3FB4];
	_ =	sdelay $0x3  }
0x37: {  	[smem:$0x3FB4] =	sst s10  }
0x38: {  	s10 =	sld [smem:$0x3FB5]  }
0x39: {  	_ = 	snop;
	(pc) =	sbr.ind lr, $3  }
0x3a: {  	_ = 	snop  }
0x3b: {  	_ = 	snop  }
0x3c: {  	p2 =	seq.s32 s10, $0x1;
	s10 =	sld [smem:$0x3FB4]  }
0x3d: {  	_ =	shalt  }
0x3e: {  	_ =	shalt  }
0x3f: {  	_ =	shalt  }
0x40: {  	_ =	shalt  }
0x41: {  	_ =	shalt  }
0x42: {  	_ =	shalt  }
0x43: {  	_ =	shalt  }
0x44: {  	_ =	shalt  }
0x45: {  	_ =	shalt  }
0x46: {  	_ =	shalt  }
0x47: {  	_ =	shalt  }
0x48: {  	_ =	shalt  }
0x49: {  	_ =	shalt  }
0x4a: {  	_ =	shalt  }
0x4b: {  	_ =	shalt  }
0x4c: {  	_ =	shalt  }
0x4d: {  	_ =	shalt  }
0x4e: {  	_ =	shalt  }
0x4f: {  	_ =	shalt  }
0x50: {  	_ =	shalt  }
0x51: {  	_ =	shalt  }
0x52: {  	_ =	shalt  }
0x53: {  	_ =	shalt  }
0x54: {  	_ =	shalt  }
0x55: {  	_ =	shalt  }
0x56: {  	_ =	shalt  }
0x57: {  	_ =	shalt  }
0x58: {  	_ =	shalt  }
0x59: {  	_ =	shalt  }
0x5a: {  	_ =	shalt  }
0x5b: {  	_ =	shalt  }
0x5c: {  	_ =	shalt  }
0x5d: {  	_ =	shalt  }
0x5e: {  	_ =	shalt  }
0x5f: {  	_ =	shalt  }
0x60: {  	_ =	shalt  }
0x61: {  	_ =	shalt  }
0x62: {  	_ =	shalt  }
0x63: {  	_ =	shalt  }
0x64: {  	_ =	shalt  }
0x65: {  	_ =	shalt  }
0x66: {  	_ =	shalt  }
0x67: {  	_ =	shalt  }
0x68: {  	_ =	shalt  }
0x69: {  	_ =	shalt  }
0x6a: {  	_ =	shalt  }
0x6b: {  	_ =	shalt  }
0x6c: {  	_ =	shalt  }
0x6d: {  	_ =	shalt  }
0x6e: {  	_ =	shalt  }
0x6f: {  	_ =	shalt  }
0x70: {  	_ =	shalt  }
0x71: {  	_ =	shalt  }
0x72: {  	_ =	shalt  }
0x73: {  	_ =	shalt  }
0x74: {  	_ =	shalt  }
0x75: {  	_ =	shalt  }
0x76: {  	_ =	shalt  }
0x77: {  	_ =	shalt  }
0x78: {  	_ =	shalt  }
0x79: {  	_ =	shalt  }
0x7a: {  	_ =	shalt  }
0x7b: {  	_ =	shalt  }
0x7c: {  	_ =	shalt  }
0x7d: {  	_ =	shalt  }
0x7e: {  	_ =	shalt  }
0x7f: {  	_ =	shalt  }
0x80: {  	_ =	shalt  }
0x81: {  	_ =	shalt  }
0x82: {  	_ =	shalt  }
0x83: {  	_ =	shalt  }
0x84: {  	_ =	shalt  }
0x85: {  	_ =	shalt  }
0x86: {  	_ =	shalt  }
0x87: {  	_ =	shalt  }
.Lfunc_end0:
.L_simem_size_0:
called_computation.1_lowered:
.L_overlay_start_0:
0x88: {  	s2 =	sld [smem:$0x3FD9]  }
0x89: {  	s3 =	sld [smem:$0x3FFE];
	_ =	sdelay $0x1  }
0x8a: {  	s1 =	srdreg.scid  }
0x8b: {  	s0 =	sand.u32 $0x1, s1  }
0x8c: {  	s17 =	sshll.u32 s0, $0xA;
	s2 =	sadd.s32 s3, s2  }
0x8d: {  	s2 =	sadd.s32 s2, s17  }
0x8e: {  	[smem:$0x3FC0] =	sst s2  }
0x8f: {  	_ = 	snop  }
0x90: {  	s2 =	sld [smem:$0x3FD0];
	(tm) =	ssettm $0x1  }
0x91: {  	s18 =	sld [smem:$0x3FFB];
	_ =	sdelay $0x3  }
0x92: {  	_ =	strace s18  }
0x93: {  	s3 =	sld [smem:$0x3FFC];
	_ =	sdelay $0x3  }
0x94: {  	_ =	strace s3  }
0x95: {  	s3 =	sld [smem:$0x3FFD];
	_ =	sdelay $0x3  }
0x96: {  	_ =	strace s3  }
0x97: {  	_ =	strace $0x8FFFFFFF  }
0x98: {  	s19 =	sld [smem:$0x3FDB];
	_ =	sdelay $0x1  }
0x99: {  	s4 =	simm.s32 $_scs_section_size  }
0x9a: {  	s5 =	simm.s32 $_size__tile_overlayer_lowered;
	s6 =	simm.s32 $_tile_overlayer_lowered  }
0x9b: {  	s22 =	simm.s32 $0x1BFF;
	s21 =	sshll.u32 s6, $0x1;
	s3 =	sadd.s32 s4, s19  }
0x9c: {  	s7 =	simm.s32 $0x0;
	s20 =	sshll.u32 s5, $0x1;
	s5 =	sadd.s32 s21, s3  }
0x9d: {  	[timem:s7], [sflag:s22] =	dma.local [hbm:s5], s20  }
0x9e: {  	_ =	swait.ge [sflag:s22], s20  }
0x9f: {  	s4 =	ssub.s32 $0x0, s20;
	[sflag:s22] =	ssyncset.done $0x0  }
0xa0: {  	[sflag:s22] =	ssyncadd.s32 s4;
	_ =	sdelay $0x1  }
0xa1: {  	s23 =	simm.s32 $0x1B8B  }
0xa2: {  	_ =	swait.ge [sflag:s23], $0x1  }
0xa3: {  	[sflag:s23] =	ssyncset.done $0x0  }
0xa4: {  	s25 =	simm.s32 $0x1B8E;
	s24 =	sld [smem:$0x3FFE];
	[sflag:s23] =	ssyncadd.s32 $0xFFFFFFFF  }
0xa5: {  	s26 =	simm.s32 $execute0_lowered;
	[smem:$0x3FD2] =	sst s25  }
0xa6: {  	s5 =	sshll.u32 s26, $0x1;
	_ =	strace $0x80000049;
	[dreg:$0x1] =	wrdreg $0xFFFFFFFF  }
0xa7: {  	s28 =	simm.s32 $_size_execute0_lowered;
	s3 =	sadd.s32 s3, s5;
	[dreg:$0x0] =	wrdreg $0x0  }
0xa8: {  	s5 =	sshll.u32 s28, $0x1;
	[dreg:$0x2] =	wrdreg s3  }
0xa9: {  	[dreg:$0x3] =	wrdreg s5  }
0xaa: {  	[dreg:$0x4] =	wrdreg $0xC0  }
0xab: {  	_ =	task [dreg:s7], $0x5FFFF  }
0xac: {  	[dreg:$0x1] =	wrdreg $0xFFFFFFFF  }
0xad: {  	[dreg:$0x0] =	wrdreg $0x60  }
0xae: {  	[dreg:$0x2] =	wrdreg s2  }
0xaf: {  	[dreg:$0x3] =	wrdreg s24  }
0xb0: {  	[dreg:$0x4] =	wrdreg $0x0  }
0xb1: {  	[dreg:$0x5] =	wrdreg $0x9  }
0xb2: {  	_ =	task.clear_ibuf [dreg:s7], $0x6FFFF;
	_ =	strace $0x90000049  }
0xb3: {  	s29 =	simm.s32 $0x9;
	_ =	strace $0x8000004B  }
0xb4: {  	_ =	swait.ge [sflag:s29], $0x1  }
0xb5: {  	[sflag:s29] =	ssyncadd.s32 $0xFFFFFFFF  }
0xb6: {  	_ =	strace $0x9000004B  }
0xb7: {  	_ =	sfence  }
0xb8: {  	s30 =	sld [smem:$0x0];
	_ =	sdelay $0x2  }
0xb9: {  	s31 =	sshll.u32 s1, $0xD;
	s1 =	sshrl.u32 s1, $0x2  }
0xba: {  	s3 =	sand.u32 $0x4000, s31;
	s1 =	sadd.s32 s1, s30  }
0xbb: {  	s0 =	sor.u32 s3, s0;
	s1 =	sshll.u32 s1, $0x11  }
0xbc: {  	s0 =	sor.u32 s1, s0  }
0xbd: {  	s0 =	sadd.s32 $0x8F2B, s0  }
0xbe: {  	[sflag:s0] =	ssyncadd.remote.s32 $0x1  }
0xbf: {  	_ =	sfence.sel $0xFFFF  }
0xc0: {  	[dreg:$0x0] =	wrdreg $0xFFFFFFFF;
	(pc) =	sbr.abs _section_cstart, $3  }
0xc1: {  	[dreg:$0x1] =	wrdreg $0xFFFFFFFF  }
0xc2: {  	_ =	task.clear_ibuf [dreg:s7], $0x2FFFF;
	_ =	strace $0x9FFFFFFF  }
0xc3: {  	(tm) =	ssettm $0x7FFFFFFF  }
tec
execute0_lowered:
.L_overlay_start_1:
0x0: {  	(tag) =	ssettag $0x1  }
0x1: {  	s1 =	rddreg [dreg:$0x0]  }
0x2: {  	s6 =	rddreg [dreg:$0x1]  }
0x3: {  	s0 =	srdreg.scid;
	s3 =	rddreg [dreg:$0x2]  }
0x4: {  	s2 =	rddreg [dreg:$0x3];
	s4 =	simm.s32 $0x0;
	s14 =	simm.s32 $0x80  }
0x5: {  	s15 =	simm.s32 $0x13F00;
	s16 =	simm.s32 $0x4;
	s17 =	simm.s32 $0x1  }
0x6: {  	s18 =	simm.s32 $0x2;
	s20 =	simm.s32 $0x3;
	s7 =	sand.u32 $0x1, s0  }
0x7: {  	s21 =	simm.s32 $0x0;
	s0 =	stileid.u32;
	s5 =	smul.u32 $0x13C000, s7  }
0x8: {  	[smem:$0x7FF] =	sst s4;
	s10 =	sadd.s32 $0x2C00, s6;
	s8 =	smul.u32 $0x13C00, s0  }
0x9: {  	_ =	strace $0x8000004A;
	s29 =	smul.u32 $0x4F000, s0;
	s9 =	ssub.s32 $0x2, s7  }
0xa: {  	s11 =	sshll.u32 s0, $0x1;
	s12 =	smul.u32 $0x9E, s0;
	s19 =	sshll.u32 s0, $0x6  }
0xb: {  	s13 =	sshrl.u32 s9, $0x1;
	s11 =	sor.u32 s7, s11;
	s7 =	smul.u32 $0x4F, s7  }
0xc: {  	s5 =	sadd.s32 s8, s5;
	s9 =	ssub.s32 s9, s13;
	s11 =	smul.u32 $0x9E0, s11  }
0xd: {  	s13 =	simm.s32 $0x5;
	s8 =	sshrl.u32 s5, $0x3;
	s5 =	sadd.s32 $0x16800, s6  }
.Ltmp0:
0xe: {  	s12 =	sadd.s32 s7, s12;
	s9 =	smax.u32 s9, $0x1;
	(pc) =	sbr.rel .LBB2_1-.Ltmp0, $4  }
0xf: {  	s8 =	sadd.s32 s8, s6;
	s6 =	sshrl.u32 s29, $0x2;
	s7 =	sadd.s32 s10, s11  }
0x10: {  	s31 =	sshll.u32 s12, $0x5;
	s12 =	simm.s32 $0x13C00;
	s30 =	sadd.s32 s6, s3  }
0x11: {  	s6 =	sor.u32 $0x1C04, s19;
	s8 =	sadd.s32 $0x19000, s8;
	s10 =	sadd.s32 s31, s10  }
0x12: {  	s19 =	sor.u32 $0x1C05, s19;
	s10 =	sadd.s32 $0x20, s10;
	s11 =	sshrl.u32 s30, $0x3  }
.LBB2_3:
0x13: {  	_ =	swait.ge [sflag:s17], $0x4000  }
0x14: {  	s22 =	sshll.u32 s24, $0xE;
	s23 =	sshll.u32 s24, $0x8;
	[sflag:s17] =	ssyncset.done $0x0  }
0x15: {  	s22 =	sadd.s32 $0x13F00, s22;
	s23 =	sadd.s32 $0x13C80, s23;
	[sflag:s17] =	ssyncadd.s32 $0xFFFFC000  }
0x16: {  	[spmem:s3] =	stream.indirect.scatter.add.f32 [tilespmem:s22], [sflag:$0x2], $0x80, s23, s14, $0xb8;
	[tilespmem:$0x1FF00] =	vst v63  }
.LBB2_5:
0x17: {  	_ =	swait.ge [sflag:s18], $0x4000  }
0x18: {  	[sflag:s18] =	ssyncset.done $0x0  }
0x19: {  	[sflag:s18] =	ssyncadd.s32 $0xFFFFC000  }
0x1a: {  	_ =	swait.ge [sflag:s18], $0x4000  }
0x1b: {  	s21 =	sadd.s32 $0x1, s21;
	[sflag:s18] =	ssyncset.done $0x0  }
0x1c: {  	p0 =	sne.s32 s21, s9;
	[sflag:s18] =	ssyncadd.s32 $0xFFFFC000  }
.Ltmp1:
0x1d: {  	[bflag:$0x0] =	sbarrier.arrive $0xFFFF;
	(pc) =	sbr.rel @!p0 .LBB2_6-.Ltmp1, $4  }
0x1e: {  	[hbm:s8], [sflag:s19] =	dma.local [spmem:s11], $0x2780  }
0x1f: {  	_ =	swait.ge [sflag:s13], $0x2780  }
0x20: {  	[sflag:s13] =	ssyncset.done $0x0  }
0x21: {  	[sflag:s13] =	ssyncadd.s32 $0xFFFFD880  }
.LBB2_1:
0x22: {  	[spmem:s11], [sflag:s6] =	dma.local [hbm:s5], $0x2780  }
0x23: {  	[tilespmem:s12], [sflag:$0x5] =	stream.linear.gather [hbm4b:s7+s4], $0x100, $0x38;
	[tilespmem:$0x1FF00] =	vst v63  }
0x24: {  	_ =	swait.ge [sflag:s13], $0x100  }
0x25: {  	[sflag:s13] =	ssyncset.done $0x0  }
0x26: {  	[sflag:s13] =	ssyncadd.s32 $0xFFFFFF00  }
0x27: {  	[tilespmem:s15], [sflag:$0x1] =	stream.indirect.gather [hbm4b:s1+s14], $0x80, s12, s14, $0xb8;
	[tilespmem:$0x1FF00] =	vst v63  }
0x28: {  	_ =	swait.ge [sflag:s16], $0x2780  }
0x29: {  	[sflag:s16] =	ssyncset.done $0x0  }
0x2a: {  	[sflag:s16] =	ssyncadd.s32 $0xFFFFD880  }
0x2b: {  	s22 =	smov.u32 s10;
	s23 =	simm.s32 $0x0;
	[bflag:$0x0] =	sbarrier.arrive $0xFFFF  }
.LBB2_2:
0x2c: {  	s25 =	smul.u32 $0xAB, s23;
	p0 =	slt.u32 s23, $0x2  }
0x2d: {  	p1 =	sne.s32 @!p0 s23, $0x4E  }
0x2e: {  	s24 =	sshrl.u32 s25, $0x9;
	p1 =	por p0, p1  }
.Ltmp2:
0x2f: {  	s24 =	sand.u32 $0x7F, s24;
	(pc) =	sbr.rel @!p1 .LBB2_3-.Ltmp2, $4  }
0x30: {  	s26 =	simm.s32 @!p0 $0x2;
	s24 =	smul.u32 $0x3, s24  }
0x31: {  	_ =	swait.ge @!p0 [sflag:s26], $0x4000  }
0x32: {  	[sflag:s26] =	ssyncset.done @!p0 $0x0;
	s24 =	ssub.s32 s23, s24  }
0x33: {  	[sflag:s26] =	ssyncadd.s32 @!p0 $0xFFFFC000;
	s24 =	sand.u32 $0xFF, s24  }
0x34: {  	s25 =	sadd.s32 $0xAB, s25  }
0x35: {  	s25 =	sshrl.u32 s25, $0x9  }
0x36: {  	s25 =	sand.u32 $0x7F, s25  }
0x37: {  	s25 =	smul.u32 $0x3, s25  }
0x38: {  	s23 =	sadd.s32 $0x1, s23  }
0x39: {  	s25 =	ssub.s32 s23, s25  }
0x3a: {  	s25 =	sand.u32 $0xFF, s25  }
0x3b: {  	s26 =	sshll.u32 s25, $0x8  }
0x3c: {  	s26 =	sadd.s32 $0x13C00, s26  }
0x3d: {  	[tilespmem:s26], [sflag:$0x3] =	stream.linear.gather [hbm4b:s22+s4], $0x100, $0x38;
	[tilespmem:$0x1FF00] =	vst v63  }
0x3e: {  	s28 =	sshll.u32 s24, $0xE;
	_ =	swait.ge [sflag:s17], $0x4000  }
0x3f: {  	s30 =	sshll.u32 s24, $0x8;
	s28 =	sadd.s32 $0x13F00, s28;
	[sflag:s17] =	ssyncset.done $0x0  }
0x40: {  	s24 =	sadd.s32 $0x13C80, s30;
	p0 =	sne.s32 s23, $0x4F;
	[sflag:s17] =	ssyncadd.s32 $0xFFFFC000  }
0x41: {  	[spmem:s3] =	stream.indirect.scatter.add.f32 [tilespmem:s28], [sflag:$0x2], $0x80, s24, s14, $0xb8;
	[tilespmem:$0x1FF00] =	vst v63  }
.Ltmp3:
0x42: {  	_ = 	snop;
	(pc) =	sbr.rel @p0 .LBB2_2-.Ltmp3, $4  }
.Ltmp4:
0x43: {  	_ =	swait.ge [sflag:s20], $0x100;
	(pc) =	sbr.rel @!p0 .LBB2_5-.Ltmp4, $4  }
0x44: {  	s31 =	sshll.u32 s25, $0xE;
	[sflag:s20] =	ssyncset.done $0x0  }
0x45: {  	s22 =	sadd.s32 $0x20, s22;
	s24 =	sadd.s32 $0x13F00, s31;
	[sflag:s20] =	ssyncadd.s32 $0xFFFFFF00  }
0x46: {  	[tilespmem:s24], [sflag:$0x1] =	stream.indirect.gather [hbm4b:s1+s14], $0x80, s26, s14, $0xb8;
	[tilespmem:$0x1FF00] =	vst v63  }
0x47: {  	_ = 	snop  }
.LBB2_6:
0x48: {  	_ =	sfence.sel $0x180000  }
0x49: {  	[bflag:$0x0] =	sbarrier.arrive $0xFFFF  }
0x4a: {  	p0 =	sne.s32 s0, $0x0;
	_ =	strace $0x9000004A  }
0x4b: {  	s0 =	sadd.s32 @!p0 $0x100000, s2;
	[bflag:$0x2] =	sbarrier.arrive $0xFFFF  }
0x4c: {  	[sflag:s0] =	ssyncadd.tile.s32 @!p0 $0x1;
	_ =	shalt  }
.Lfunc_end2:
_tile_overlayer_lowered:
.L_overlay_start_2:
0x4d: {  	(tag) =	ssettag $0x2  }
0x4e: {  	s0 =	rddreg [dreg:$0x0];
	s2 =	stileid.u32  }
0x4f: {  	s1 =	rddreg [dreg:$0x1];
	p0 =	sne.s32 s2, $0x0  }
0x50: {  	s3 =	rddreg [dreg:$0x2];
	[bflag:$0x3] =	sbarrier.arrive $0xFFFF;
	s2 =	simm.s32 @!p0 $0x1C05  }
0x51: {  	[timem:s3], [sflag:s2] =	dma.local @!p0 [hbm:s0], s1  }
0x52: {  	s0 =	simm.s32 @!p0 $0x5  }
0x53: {  	_ =	swait.ge @!p0 [sflag:s0], s1  }
0x54: {  	s1 =	ssub.s32 @!p0 $0x0, s1;
	[sflag:s0] =	ssyncset.done @!p0 $0x0  }
0x55: {  	[sflag:s0] =	ssyncadd.s32 @!p0 s1  }
0x56: {  	[bflag:$0x3] =	sbarrier.arrive $0xFFFF  }
0x57: {  	_ =	shalt  }

// kernel: kernel.14.cloned.1.call-start
scs
__scs_entry_jumppad:
0x0: {  	(pc) =	sbr.rel $0x88, $3  }
0x1: {  	(tag) =	ssettag $0x0;
	lr =	simm.s32 $0x1  }
0x2: {  	[smem:$0x3F99] =	sst lr;
	_ =	strace $0xD0000000  }
0x3: {  	_ = 	snop  }
0x4: {  	_ = 	snop  }
0x5: {  	_ = 	snop  }
0x6: {  	_ = 	snop  }
0x7: {  	_ = 	snop  }
__scs_overlays_trampoline_lowered:
0x8: {  	[smem:$0x3FA8] =	sst s0  }
0x9: {  	[smem:$0x3FA9] =	sst s1  }
0xa: {  	[smem:$0x3FAA] =	sst s2  }
0xb: {  	[smem:$0x3FAB] =	sst s3  }
0xc: {  	[smem:$0x3FAC] =	sst s4  }
0xd: {  	[smem:$0x3FAD] =	sst s5  }
0xe: {  	[smem:$0x3FAE] =	sst s6  }
0xf: {  	[smem:$0x3FAF] =	sst s7  }
0x10: {  	[smem:$0x3FB0] =	sst s8  }
0x11: {  	[smem:$0x3FB1] =	sst s9;
	s0 =	simm.s32 @!p0 $0x0  }
0x12: {  	s1 =	sld [smem:$0x3F97];
	s0 =	simm.s32 @p0 $0x1  }
0x13: {  	[smem:$0x3FB2] =	sst s0;
	s0 =	simm.s32 @!p1 $0x0  }
0x14: {  	s2 =	sld [smem:$0x3F96];
	s0 =	simm.s32 @p1 $0x1  }
0x15: {  	[smem:$0x3FB3] =	sst s0;
	s0 =	simm.s32 @!p2 $0x0  }
0x16: {  	s3 =	sld [smem:$0x3FDB];
	s0 =	simm.s32 @p2 $0x1  }
0x17: {  	s4 =	simm.s32 $0x1BF5;
	[smem:$0x3FB5] =	sst s0  }
0x18: {  	s0 =	sld [smem:$0x3F98];
	_ =	swait.ge [sflag:s4], $0x0  }
0x19: {  	s7 =	sld [smem:$0x3F99]  }
0x1a: {  	s8 =	sadd.s32 $0xFFFFE003, lr  }
0x1b: {  	s9 =	sadd.s32 $0xFFFFFEF7, lr;
	s5 =	simm.s32 $0xFFFFFFFF;
	p2 =	slt.u32 s8, $0xFFFFF086  }
0x1c: {  	p1 =	slt.u32 s9, $0xF7A;
	s5 =	simm.s32 @!p2 $0x0  }
0x1d: {  	s5 =	simm.s32 @p1 $0x1;
	p0 =	seq.s32 s7, s2  }
0x1e: {  	s7 =	smul.u32 @!p0 $0xF7A, s2;
	p2 =	seq.s32 @!p0 s5, $0x0  }
0x1f: {  	s9 =	smul.u32 $0xF7A, s1;
	s8 =	simm.s32 @!p0 $0x1BF5;
	p2 =	por !p2, p0  }
0x20: {  	[sflag:s8] =	ssyncset.s32 @!p0 $0xFFFFF086;
	s6 =	sadd.s32 @!p0 s3, s7;
	s7 =	simm.s32 @!p0 $0x108  }
0x21: {  	s3 =	sadd.s32 s3, s9;
	s6 =	sadd.s32 @!p0 $0x88, s6;
	s7 =	simm.s32 @p2 $0x1082  }
0x22: {  	[simem:s7], [sflag:s8] =	dma.local @!p0 [hbm:s6], $0xF7A  }
0x23: {  	s9 =	sor.u32 $0xD0000000, s2;
	s6 =	simm.s32 $0x108;
	_ =	swait.ge @!p0 [sflag:s8], $0x0  }
0x24: {  	s3 =	sadd.s32 $0x88, s3;
	s6 =	simm.s32 @!p1 $0x1082;
	[sflag:s4] =	ssyncset.s32 $0xFFFFF086  }
0x25: {  	[simem:s6], [sflag:s4] =	dma.local [hbm:s3], $0xF7A  }
0x26: {  	[smem:$0x3F99] =	sst s1;
	(tag) =	ssettag s2;
	_ =	strace s9  }
0x27: {  	s1 =	sld [smem:$0x3FA9]  }
0x28: {  	s2 =	sld [smem:$0x3FAA]  }
0x29: {  	s4 =	sld [smem:$0x3FAC]  }
0x2a: {  	p0 =	seq.s32 s5, $0x0;
	s5 =	sld [smem:$0x3FAD]  }
0x2b: {  	s6 =	sld [smem:$0x3FAE]  }
0x2c: {  	s7 =	sld [smem:$0x3FAF]  }
0x2d: {  	s3 =	simm.s32 $0x108;
	s8 =	sld [smem:$0x3FB0]  }
0x2e: {  	s3 =	simm.s32 @!p0 $0x1082;
	s9 =	sld [smem:$0x3FB1]  }
0x2f: {  	lr =	sadd.s32 s0, s3;
	s0 =	sld [smem:$0x3FA8]  }
0x30: {  	s3 =	sld [smem:$0x3FAB]  }
0x31: {  	[smem:$0x3FB4] =	sst s10  }
0x32: {  	s10 =	sld [smem:$0x3FB2];
	_ =	sdelay $0x3  }
0x33: {  	p0 =	seq.s32 s10, $0x1;
	s10 =	sld [smem:$0x3FB4];
	_ =	sdelay $0x3  }
0x34: {  	[smem:$0x3FB4] =	sst s10  }
0x35: {  	s10 =	sld [smem:$0x3FB3];
	_ =	sdelay $0x3  }
0x36: {  	p1 =	seq.s32 s10, $0x1;
	s10 =	sld [smem:$0x3FB4];
	_ =	sdelay $0x3  }
0x37: {  	[smem:$0x3FB4] =	sst s10  }
0x38: {  	s10 =	sld [smem:$0x3FB5]  }
0x39: {  	_ = 	snop;
	(pc) =	sbr.ind lr, $3  }
0x3a: {  	_ = 	snop  }
0x3b: {  	_ = 	snop  }
0x3c: {  	p2 =	seq.s32 s10, $0x1;
	s10 =	sld [smem:$0x3FB4]  }
0x3d: {  	_ =	shalt  }
0x3e: {  	_ =	shalt  }
0x3f: {  	_ =	shalt  }
0x40: {  	_ =	shalt  }
0x41: {  	_ =	shalt  }
0x42: {  	_ =	shalt  }
0x43: {  	_ =	shalt  }
0x44: {  	_ =	shalt  }
0x45: {  	_ =	shalt  }
0x46: {  	_ =	shalt  }
0x47: {  	_ =	shalt  }
0x48: {  	_ =	shalt  }
0x49: {  	_ =	shalt  }
0x4a: {  	_ =	shalt  }
0x4b: {  	_ =	shalt  }
0x4c: {  	_ =	shalt  }
0x4d: {  	_ =	shalt  }
0x4e: {  	_ =	shalt  }
0x4f: {  	_ =	shalt  }
0x50: {  	_ =	shalt  }
0x51: {  	_ =	shalt  }
0x52: {  	_ =	shalt  }
0x53: {  	_ =	shalt  }
0x54: {  	_ =	shalt  }
0x55: {  	_ =	shalt  }
0x56: {  	_ =	shalt  }
0x57: {  	_ =	shalt  }
0x58: {  	_ =	shalt  }
0x59: {  	_ =	shalt  }
0x5a: {  	_ =	shalt  }
0x5b: {  	_ =	shalt  }
0x5c: {  	_ =	shalt  }
0x5d: {  	_ =	shalt  }
0x5e: {  	_ =	shalt  }
0x5f: {  	_ =	shalt  }
0x60: {  	_ =	shalt  }
0x61: {  	_ =	shalt  }
0x62: {  	_ =	shalt  }
0x63: {  	_ =	shalt  }
0x64: {  	_ =	shalt  }
0x65: {  	_ =	shalt  }
0x66: {  	_ =	shalt  }
0x67: {  	_ =	shalt  }
0x68: {  	_ =	shalt  }
0x69: {  	_ =	shalt  }
0x6a: {  	_ =	shalt  }
0x6b: {  	_ =	shalt  }
0x6c: {  	_ =	shalt  }
0x6d: {  	_ =	shalt  }
0x6e: {  	_ =	shalt  }
0x6f: {  	_ =	shalt  }
0x70: {  	_ =	shalt  }
0x71: {  	_ =	shalt  }
0x72: {  	_ =	shalt  }
0x73: {  	_ =	shalt  }
0x74: {  	_ =	shalt  }
0x75: {  	_ =	shalt  }
0x76: {  	_ =	shalt  }
0x77: {  	_ =	shalt  }
0x78: {  	_ =	shalt  }
0x79: {  	_ =	shalt  }
0x7a: {  	_ =	shalt  }
0x7b: {  	_ =	shalt  }
0x7c: {  	_ =	shalt  }
0x7d: {  	_ =	shalt  }
0x7e: {  	_ =	shalt  }
0x7f: {  	_ =	shalt  }
0x80: {  	_ =	shalt  }
0x81: {  	_ =	shalt  }
0x82: {  	_ =	shalt  }
0x83: {  	_ =	shalt  }
0x84: {  	_ =	shalt  }
0x85: {  	_ =	shalt  }
0x86: {  	_ =	shalt  }
0x87: {  	_ =	shalt  }
.Lfunc_end0:
.L_simem_size_0:
called_computation.2_lowered:
.L_overlay_start_0:
0x88: {  	s2 =	sld [smem:$0x3FD9]  }
0x89: {  	s3 =	sld [smem:$0x3FFE];
	_ =	sdelay $0x1  }
0x8a: {  	s1 =	srdreg.scid  }
0x8b: {  	s0 =	sand.u32 $0x1, s1  }
0x8c: {  	s17 =	sshll.u32 s0, $0xA;
	s2 =	sadd.s32 s3, s2  }
0x8d: {  	s2 =	sadd.s32 s2, s17  }
0x8e: {  	[smem:$0x3FC0] =	sst s2  }
0x8f: {  	_ = 	snop  }
0x90: {  	s2 =	sld [smem:$0x3FD0];
	(tm) =	ssettm $0x1  }
0x91: {  	s18 =	sld [smem:$0x3FFB];
	_ =	sdelay $0x3  }
0x92: {  	_ =	strace s18  }
0x93: {  	s3 =	sld [smem:$0x3FFC];
	_ =	sdelay $0x3  }
0x94: {  	_ =	strace s3  }
0x95: {  	s3 =	sld [smem:$0x3FFD];
	_ =	sdelay $0x3  }
0x96: {  	_ =	strace s3  }
0x97: {  	_ =	strace $0x8FFFFFFF  }
0x98: {  	s19 =	sld [smem:$0x3FDB];
	_ =	sdelay $0x1  }
0x99: {  	s4 =	simm.s32 $_scs_section_size  }
0x9a: {  	s5 =	simm.s32 $_size__tile_overlayer_lowered;
	s6 =	simm.s32 $_tile_overlayer_lowered  }
0x9b: {  	s22 =	simm.s32 $0x1BFF;
	s21 =	sshll.u32 s6, $0x1;
	s3 =	sadd.s32 s4, s19  }
0x9c: {  	s7 =	simm.s32 $0x0;
	s20 =	sshll.u32 s5, $0x1;
	s5 =	sadd.s32 s21, s3  }
0x9d: {  	[timem:s7], [sflag:s22] =	dma.local [hbm:s5], s20  }
0x9e: {  	_ =	swait.ge [sflag:s22], s20  }
0x9f: {  	s4 =	ssub.s32 $0x0, s20;
	[sflag:s22] =	ssyncset.done $0x0  }
0xa0: {  	[sflag:s22] =	ssyncadd.s32 s4;
	_ =	sdelay $0x1  }
0xa1: {  	s23 =	simm.s32 $0x1B8B  }
0xa2: {  	_ =	swait.ge [sflag:s23], $0x1  }
0xa3: {  	[sflag:s23] =	ssyncset.done $0x0  }
0xa4: {  	s25 =	simm.s32 $0x1B8E;
	s24 =	sld [smem:$0x3FFE];
	[sflag:s23] =	ssyncadd.s32 $0xFFFFFFFF  }
0xa5: {  	s26 =	simm.s32 $execute0_lowered;
	[smem:$0x3FD2] =	sst s25  }
0xa6: {  	s5 =	sshll.u32 s26, $0x1;
	_ =	strace $0x8000004C;
	[dreg:$0x1] =	wrdreg $0xFFFFFFFF  }
0xa7: {  	s28 =	simm.s32 $_size_execute0_lowered;
	s3 =	sadd.s32 s3, s5;
	[dreg:$0x0] =	wrdreg $0x0  }
0xa8: {  	s5 =	sshll.u32 s28, $0x1;
	[dreg:$0x2] =	wrdreg s3  }
0xa9: {  	[dreg:$0x3] =	wrdreg s5  }
0xaa: {  	[dreg:$0x4] =	wrdreg $0xC0  }
0xab: {  	_ =	task [dreg:s7], $0x5FFFF  }
0xac: {  	[dreg:$0x1] =	wrdreg $0xFFFFFFFF  }
0xad: {  	[dreg:$0x0] =	wrdreg $0x60  }
0xae: {  	[dreg:$0x2] =	wrdreg s2  }
0xaf: {  	[dreg:$0x3] =	wrdreg s24  }
0xb0: {  	[dreg:$0x4] =	wrdreg $0x0  }
0xb1: {  	[dreg:$0x5] =	wrdreg $0x9  }
0xb2: {  	_ =	task.clear_ibuf [dreg:s7], $0x6FFFF;
	_ =	strace $0x9000004C  }
0xb3: {  	s29 =	simm.s32 $0x9;
	_ =	strace $0x8000004E  }
0xb4: {  	_ =	swait.ge [sflag:s29], $0x1  }
0xb5: {  	[sflag:s29] =	ssyncadd.s32 $0xFFFFFFFF  }
0xb6: {  	_ =	strace $0x9000004E  }
0xb7: {  	_ =	sfence  }
0xb8: {  	s30 =	sld [smem:$0x0];
	_ =	sdelay $0x2  }
0xb9: {  	s31 =	sshll.u32 s1, $0xD;
	s1 =	sshrl.u32 s1, $0x2  }
0xba: {  	s3 =	sand.u32 $0x4000, s31;
	s1 =	sadd.s32 s1, s30  }
0xbb: {  	s0 =	sor.u32 s3, s0;
	s1 =	sshll.u32 s1, $0x11  }
0xbc: {  	s0 =	sor.u32 s1, s0  }
0xbd: {  	s0 =	sadd.s32 $0x8F2B, s0  }
0xbe: {  	[sflag:s0] =	ssyncadd.remote.s32 $0x1  }
0xbf: {  	_ =	sfence.sel $0xFFFF  }
0xc0: {  	[dreg:$0x0] =	wrdreg $0xFFFFFFFF;
	(pc) =	sbr.abs _section_cstart, $3  }
0xc1: {  	[dreg:$0x1] =	wrdreg $0xFFFFFFFF  }
0xc2: {  	_ =	task.clear_ibuf [dreg:s7], $0x2FFFF;
	_ =	strace $0x9FFFFFFF  }
0xc3: {  	(tm) =	ssettm $0x7FFFFFFF  }
tec
execute0_lowered:
.L_overlay_start_1:
0x0: {  	(tag) =	ssettag $0x1  }
0x1: {  	s1 =	rddreg [dreg:$0x0]  }
0x2: {  	s6 =	rddreg [dreg:$0x1]  }
0x3: {  	s0 =	srdreg.scid;
	s3 =	rddreg [dreg:$0x2]  }
0x4: {  	s2 =	rddreg [dreg:$0x3];
	s4 =	simm.s32 $0x0;
	s14 =	simm.s32 $0x80  }
0x5: {  	s15 =	simm.s32 $0x13F00;
	s16 =	simm.s32 $0x4;
	s17 =	simm.s32 $0x1  }
0x6: {  	s18 =	simm.s32 $0x2;
	s20 =	simm.s32 $0x3;
	s7 =	sand.u32 $0x1, s0  }
0x7: {  	s21 =	simm.s32 $0x0;
	s0 =	stileid.u32;
	s5 =	smul.u32 $0x13C000, s7  }
0x8: {  	[smem:$0x7FF] =	sst s4;
	s10 =	sadd.s32 $0x2C00, s6;
	s8 =	smul.u32 $0x13C00, s0  }
0x9: {  	_ =	strace $0x8000004D;
	s29 =	smul.u32 $0x4F000, s0;
	s9 =	ssub.s32 $0x2, s7  }
0xa: {  	s11 =	sshll.u32 s0, $0x1;
	s12 =	smul.u32 $0x9E, s0;
	s19 =	sshll.u32 s0, $0x6  }
0xb: {  	s13 =	sshrl.u32 s9, $0x1;
	s11 =	sor.u32 s7, s11;
	s7 =	smul.u32 $0x4F, s7  }
0xc: {  	s5 =	sadd.s32 s8, s5;
	s9 =	ssub.s32 s9, s13;
	s11 =	smul.u32 $0x9E0, s11  }
0xd: {  	s13 =	simm.s32 $0x5;
	s8 =	sshrl.u32 s5, $0x3;
	s5 =	sadd.s32 $0x16800, s6  }
.Ltmp0:
0xe: {  	s12 =	sadd.s32 s7, s12;
	s9 =	smax.u32 s9, $0x1;
	(pc) =	sbr.rel .LBB2_1-.Ltmp0, $4  }
0xf: {  	s8 =	sadd.s32 s8, s6;
	s6 =	sshrl.u32 s29, $0x2;
	s7 =	sadd.s32 s10, s11  }
0x10: {  	s31 =	sshll.u32 s12, $0x5;
	s12 =	simm.s32 $0x13C00;
	s30 =	sadd.s32 s6, s3  }
0x11: {  	s6 =	sor.u32 $0x1C04, s19;
	s8 =	sadd.s32 $0x19000, s8;
	s10 =	sadd.s32 s31, s10  }
0x12: {  	s19 =	sor.u32 $0x1C05, s19;
	s10 =	sadd.s32 $0x20, s10;
	s11 =	sshrl.u32 s30, $0x3  }
.LBB2_3:
0x13: {  	_ =	swait.ge [sflag:s17], $0x4000  }
0x14: {  	s22 =	sshll.u32 s24, $0xE;
	s23 =	sshll.u32 s24, $0x8;
	[sflag:s17] =	ssyncset.done $0x0  }
0x15: {  	s22 =	sadd.s32 $0x13F00, s22;
	s23 =	sadd.s32 $0x13C80, s23;
	[sflag:s17] =	ssyncadd.s32 $0xFFFFC000  }
0x16: {  	[spmem:s3] =	stream.indirect.scatter.add.f32 [tilespmem:s22], [sflag:$0x2], $0x80, s23, s14, $0xb8;
	[tilespmem:$0x1FF00] =	vst v63  }
.LBB2_5:
0x17: {  	_ =	swait.ge [sflag:s18], $0x4000  }
0x18: {  	[sflag:s18] =	ssyncset.done $0x0  }
0x19: {  	[sflag:s18] =	ssyncadd.s32 $0xFFFFC000  }
0x1a: {  	_ =	swait.ge [sflag:s18], $0x4000  }
0x1b: {  	s21 =	sadd.s32 $0x1, s21;
	[sflag:s18] =	ssyncset.done $0x0  }
0x1c: {  	p0 =	sne.s32 s21, s9;
	[sflag:s18] =	ssyncadd.s32 $0xFFFFC000  }
.Ltmp1:
0x1d: {  	[bflag:$0x0] =	sbarrier.arrive $0xFFFF;
	(pc) =	sbr.rel @!p0 .LBB2_6-.Ltmp1, $4  }
0x1e: {  	[hbm:s8], [sflag:s19] =	dma.local [spmem:s11], $0x2780  }
0x1f: {  	_ =	swait.ge [sflag:s13], $0x2780  }
0x20: {  	[sflag:s13] =	ssyncset.done $0x0  }
0x21: {  	[sflag:s13] =	ssyncadd.s32 $0xFFFFD880  }
.LBB2_1:
0x22: {  	[spmem:s11], [sflag:s6] =	dma.local [hbm:s5], $0x2780  }
0x23: {  	[tilespmem:s12], [sflag:$0x5] =	stream.linear.gather [hbm4b:s7+s4], $0x100, $0x38;
	[tilespmem:$0x1FF00] =	vst v63  }
0x24: {  	_ =	swait.ge [sflag:s13], $0x100  }
0x25: {  	[sflag:s13] =	ssyncset.done $0x0  }
0x26: {  	[sflag:s13] =	ssyncadd.s32 $0xFFFFFF00  }
0x27: {  	[tilespmem:s15], [sflag:$0x1] =	stream.indirect.gather [hbm4b:s1+s14], $0x80, s12, s14, $0xb8;
	[tilespmem:$0x1FF00] =	vst v63  }
0x28: {  	_ =	swait.ge [sflag:s16], $0x2780  }
0x29: {  	[sflag:s16] =	ssyncset.done $0x0  }
0x2a: {  	[sflag:s16] =	ssyncadd.s32 $0xFFFFD880  }
0x2b: {  	s22 =	smov.u32 s10;
	s23 =	simm.s32 $0x0;
	[bflag:$0x0] =	sbarrier.arrive $0xFFFF  }
.LBB2_2:
0x2c: {  	s25 =	smul.u32 $0xAB, s23;
	p0 =	slt.u32 s23, $0x2  }
0x2d: {  	p1 =	sne.s32 @!p0 s23, $0x4E  }
0x2e: {  	s24 =	sshrl.u32 s25, $0x9;
	p1 =	por p0, p1  }
.Ltmp2:
0x2f: {  	s24 =	sand.u32 $0x7F, s24;
	(pc) =	sbr.rel @!p1 .LBB2_3-.Ltmp2, $4  }
0x30: {  	s26 =	simm.s32 @!p0 $0x2;
	s24 =	smul.u32 $0x3, s24  }
0x31: {  	_ =	swait.ge @!p0 [sflag:s26], $0x4000  }
0x32: {  	[sflag:s26] =	ssyncset.done @!p0 $0x0;
	s24 =	ssub.s32 s23, s24  }
0x33: {  	[sflag:s26] =	ssyncadd.s32 @!p0 $0xFFFFC000;
	s24 =	sand.u32 $0xFF, s24  }
0x34: {  	s25 =	sadd.s32 $0xAB, s25  }
0x35: {  	s25 =	sshrl.u32 s25, $0x9  }
0x36: {  	s25 =	sand.u32 $0x7F, s25  }
0x37: {  	s25 =	smul.u32 $0x3, s25  }
0x38: {  	s23 =	sadd.s32 $0x1, s23  }
0x39: {  	s25 =	ssub.s32 s23, s25  }
0x3a: {  	s25 =	sand.u32 $0xFF, s25  }
0x3b: {  	s26 =	sshll.u32 s25, $0x8  }
0x3c: {  	s26 =	sadd.s32 $0x13C00, s26  }
0x3d: {  	[tilespmem:s26], [sflag:$0x3] =	stream.linear.gather [hbm4b:s22+s4], $0x100, $0x38;
	[tilespmem:$0x1FF00] =	vst v63  }
0x3e: {  	s28 =	sshll.u32 s24, $0xE;
	_ =	swait.ge [sflag:s17], $0x4000  }
0x3f: {  	s30 =	sshll.u32 s24, $0x8;
	s28 =	sadd.s32 $0x13F00, s28;
	[sflag:s17] =	ssyncset.done $0x0  }
0x40: {  	s24 =	sadd.s32 $0x13C80, s30;
	p0 =	sne.s32 s23, $0x4F;
	[sflag:s17] =	ssyncadd.s32 $0xFFFFC000  }
0x41: {  	[spmem:s3] =	stream.indirect.scatter.add.f32 [tilespmem:s28], [sflag:$0x2], $0x80, s24, s14, $0xb8;
	[tilespmem:$0x1FF00] =	vst v63  }
.Ltmp3:
0x42: {  	_ = 	snop;
	(pc) =	sbr.rel @p0 .LBB2_2-.Ltmp3, $4  }
.Ltmp4:
0x43: {  	_ =	swait.ge [sflag:s20], $0x100;
	(pc) =	sbr.rel @!p0 .LBB2_5-.Ltmp4, $4  }
0x44: {  	s31 =	sshll.u32 s25, $0xE;
	[sflag:s20] =	ssyncset.done $0x0  }
0x45: {  	s22 =	sadd.s32 $0x20, s22;
	s24 =	sadd.s32 $0x13F00, s31;
	[sflag:s20] =	ssyncadd.s32 $0xFFFFFF00  }
0x46: {  	[tilespmem:s24], [sflag:$0x1] =	stream.indirect.gather [hbm4b:s1+s14], $0x80, s26, s14, $0xb8;
	[tilespmem:$0x1FF00] =	vst v63  }
0x47: {  	_ = 	snop  }
.LBB2_6:
0x48: {  	_ =	sfence.sel $0x180000  }
0x49: {  	[bflag:$0x0] =	sbarrier.arrive $0xFFFF  }
0x4a: {  	p0 =	sne.s32 s0, $0x0;
	_ =	strace $0x9000004D  }
0x4b: {  	s0 =	sadd.s32 @!p0 $0x100000, s2;
	[bflag:$0x2] =	sbarrier.arrive $0xFFFF  }
0x4c: {  	[sflag:s0] =	ssyncadd.tile.s32 @!p0 $0x1;
	_ =	shalt  }
.Lfunc_end2:
_tile_overlayer_lowered:
.L_overlay_start_2:
0x4d: {  	(tag) =	ssettag $0x2  }
0x4e: {  	s0 =	rddreg [dreg:$0x0];
	s2 =	stileid.u32  }
0x4f: {  	s1 =	rddreg [dreg:$0x1];
	p0 =	sne.s32 s2, $0x0  }
0x50: {  	s3 =	rddreg [dreg:$0x2];
	[bflag:$0x3] =	sbarrier.arrive $0xFFFF;
	s2 =	simm.s32 @!p0 $0x1C05  }
0x51: {  	[timem:s3], [sflag:s2] =	dma.local @!p0 [hbm:s0], s1  }
0x52: {  	s0 =	simm.s32 @!p0 $0x5  }
0x53: {  	_ =	swait.ge @!p0 [sflag:s0], s1  }
0x54: {  	s1 =	ssub.s32 @!p0 $0x0, s1;
	[sflag:s0] =	ssyncset.done @!p0 $0x0  }
0x55: {  	[sflag:s0] =	ssyncadd.s32 @!p0 s1  }
0x56: {  	[bflag:$0x3] =	sbarrier.arrive $0xFFFF  }
0x57: {  	_ =	shalt  }

// kernel: kernel.8.cloned.1.call-start
scs
__scs_entry_jumppad:
0x0: {  	(pc) =	sbr.rel $0x88, $3  }
0x1: {  	(tag) =	ssettag $0x0;
	lr =	simm.s32 $0x1  }
0x2: {  	[smem:$0x3F99] =	sst lr;
	_ =	strace $0xD0000000  }
0x3: {  	_ = 	snop  }
0x4: {  	_ = 	snop  }
0x5: {  	_ = 	snop  }
0x6: {  	_ = 	snop  }
0x7: {  	_ = 	snop  }
__scs_overlays_trampoline_lowered:
0x8: {  	[smem:$0x3FA8] =	sst s0  }
0x9: {  	[smem:$0x3FA9] =	sst s1  }
0xa: {  	[smem:$0x3FAA] =	sst s2  }
0xb: {  	[smem:$0x3FAB] =	sst s3  }
0xc: {  	[smem:$0x3FAC] =	sst s4  }
0xd: {  	[smem:$0x3FAD] =	sst s5  }
0xe: {  	[smem:$0x3FAE] =	sst s6  }
0xf: {  	[smem:$0x3FAF] =	sst s7  }
0x10: {  	[smem:$0x3FB0] =	sst s8  }
0x11: {  	[smem:$0x3FB1] =	sst s9;
	s0 =	simm.s32 @!p0 $0x0  }
0x12: {  	s1 =	sld [smem:$0x3F97];
	s0 =	simm.s32 @p0 $0x1  }
0x13: {  	[smem:$0x3FB2] =	sst s0;
	s0 =	simm.s32 @!p1 $0x0  }
0x14: {  	s2 =	sld [smem:$0x3F96];
	s0 =	simm.s32 @p1 $0x1  }
0x15: {  	[smem:$0x3FB3] =	sst s0;
	s0 =	simm.s32 @!p2 $0x0  }
0x16: {  	s3 =	sld [smem:$0x3FDB];
	s0 =	simm.s32 @p2 $0x1  }
0x17: {  	s4 =	simm.s32 $0x1BF5;
	[smem:$0x3FB5] =	sst s0  }
0x18: {  	s0 =	sld [smem:$0x3F98];
	_ =	swait.ge [sflag:s4], $0x0  }
0x19: {  	s7 =	sld [smem:$0x3F99]  }
0x1a: {  	s8 =	sadd.s32 $0xFFFFE003, lr  }
0x1b: {  	s9 =	sadd.s32 $0xFFFFFEF7, lr;
	s5 =	simm.s32 $0xFFFFFFFF;
	p2 =	slt.u32 s8, $0xFFFFF086  }
0x1c: {  	p1 =	slt.u32 s9, $0xF7A;
	s5 =	simm.s32 @!p2 $0x0  }
0x1d: {  	s5 =	simm.s32 @p1 $0x1;
	p0 =	seq.s32 s7, s2  }
0x1e: {  	s7 =	smul.u32 @!p0 $0xF7A, s2;
	p2 =	seq.s32 @!p0 s5, $0x0  }
0x1f: {  	s9 =	smul.u32 $0xF7A, s1;
	s8 =	simm.s32 @!p0 $0x1BF5;
	p2 =	por !p2, p0  }
0x20: {  	[sflag:s8] =	ssyncset.s32 @!p0 $0xFFFFF086;
	s6 =	sadd.s32 @!p0 s3, s7;
	s7 =	simm.s32 @!p0 $0x108  }
0x21: {  	s3 =	sadd.s32 s3, s9;
	s6 =	sadd.s32 @!p0 $0x88, s6;
	s7 =	simm.s32 @p2 $0x1082  }
0x22: {  	[simem:s7], [sflag:s8] =	dma.local @!p0 [hbm:s6], $0xF7A  }
0x23: {  	s9 =	sor.u32 $0xD0000000, s2;
	s6 =	simm.s32 $0x108;
	_ =	swait.ge @!p0 [sflag:s8], $0x0  }
0x24: {  	s3 =	sadd.s32 $0x88, s3;
	s6 =	simm.s32 @!p1 $0x1082;
	[sflag:s4] =	ssyncset.s32 $0xFFFFF086  }
0x25: {  	[simem:s6], [sflag:s4] =	dma.local [hbm:s3], $0xF7A  }
0x26: {  	[smem:$0x3F99] =	sst s1;
	(tag) =	ssettag s2;
	_ =	strace s9  }
0x27: {  	s1 =	sld [smem:$0x3FA9]  }
0x28: {  	s2 =	sld [smem:$0x3FAA]  }
0x29: {  	s4 =	sld [smem:$0x3FAC]  }
0x2a: {  	p0 =	seq.s32 s5, $0x0;
	s5 =	sld [smem:$0x3FAD]  }
0x2b: {  	s6 =	sld [smem:$0x3FAE]  }
0x2c: {  	s7 =	sld [smem:$0x3FAF]  }
0x2d: {  	s3 =	simm.s32 $0x108;
	s8 =	sld [smem:$0x3FB0]  }
0x2e: {  	s3 =	simm.s32 @!p0 $0x1082;
	s9 =	sld [smem:$0x3FB1]  }
0x2f: {  	lr =	sadd.s32 s0, s3;
	s0 =	sld [smem:$0x3FA8]  }
0x30: {  	s3 =	sld [smem:$0x3FAB]  }
0x31: {  	[smem:$0x3FB4] =	sst s10  }
0x32: {  	s10 =	sld [smem:$0x3FB2];
	_ =	sdelay $0x3  }
0x33: {  	p0 =	seq.s32 s10, $0x1;
	s10 =	sld [smem:$0x3FB4];
	_ =	sdelay $0x3  }
0x34: {  	[smem:$0x3FB4] =	sst s10  }
0x35: {  	s10 =	sld [smem:$0x3FB3];
	_ =	sdelay $0x3  }
0x36: {  	p1 =	seq.s32 s10, $0x1;
	s10 =	sld [smem:$0x3FB4];
	_ =	sdelay $0x3  }
0x37: {  	[smem:$0x3FB4] =	sst s10  }
0x38: {  	s10 =	sld [smem:$0x3FB5]  }
0x39: {  	_ = 	snop;
	(pc) =	sbr.ind lr, $3  }
0x3a: {  	_ = 	snop  }
0x3b: {  	_ = 	snop  }
0x3c: {  	p2 =	seq.s32 s10, $0x1;
	s10 =	sld [smem:$0x3FB4]  }
0x3d: {  	_ =	shalt  }
0x3e: {  	_ =	shalt  }
0x3f: {  	_ =	shalt  }
0x40: {  	_ =	shalt  }
0x41: {  	_ =	shalt  }
0x42: {  	_ =	shalt  }
0x43: {  	_ =	shalt  }
0x44: {  	_ =	shalt  }
0x45: {  	_ =	shalt  }
0x46: {  	_ =	shalt  }
0x47: {  	_ =	shalt  }
0x48: {  	_ =	shalt  }
0x49: {  	_ =	shalt  }
0x4a: {  	_ =	shalt  }
0x4b: {  	_ =	shalt  }
0x4c: {  	_ =	shalt  }
0x4d: {  	_ =	shalt  }
0x4e: {  	_ =	shalt  }
0x4f: {  	_ =	shalt  }
0x50: {  	_ =	shalt  }
0x51: {  	_ =	shalt  }
0x52: {  	_ =	shalt  }
0x53: {  	_ =	shalt  }
0x54: {  	_ =	shalt  }
0x55: {  	_ =	shalt  }
0x56: {  	_ =	shalt  }
0x57: {  	_ =	shalt  }
0x58: {  	_ =	shalt  }
0x59: {  	_ =	shalt  }
0x5a: {  	_ =	shalt  }
0x5b: {  	_ =	shalt  }
0x5c: {  	_ =	shalt  }
0x5d: {  	_ =	shalt  }
0x5e: {  	_ =	shalt  }
0x5f: {  	_ =	shalt  }
0x60: {  	_ =	shalt  }
0x61: {  	_ =	shalt  }
0x62: {  	_ =	shalt  }
0x63: {  	_ =	shalt  }
0x64: {  	_ =	shalt  }
0x65: {  	_ =	shalt  }
0x66: {  	_ =	shalt  }
0x67: {  	_ =	shalt  }
0x68: {  	_ =	shalt  }
0x69: {  	_ =	shalt  }
0x6a: {  	_ =	shalt  }
0x6b: {  	_ =	shalt  }
0x6c: {  	_ =	shalt  }
0x6d: {  	_ =	shalt  }
0x6e: {  	_ =	shalt  }
0x6f: {  	_ =	shalt  }
0x70: {  	_ =	shalt  }
0x71: {  	_ =	shalt  }
0x72: {  	_ =	shalt  }
0x73: {  	_ =	shalt  }
0x74: {  	_ =	shalt  }
0x75: {  	_ =	shalt  }
0x76: {  	_ =	shalt  }
0x77: {  	_ =	shalt  }
0x78: {  	_ =	shalt  }
0x79: {  	_ =	shalt  }
0x7a: {  	_ =	shalt  }
0x7b: {  	_ =	shalt  }
0x7c: {  	_ =	shalt  }
0x7d: {  	_ =	shalt  }
0x7e: {  	_ =	shalt  }
0x7f: {  	_ =	shalt  }
0x80: {  	_ =	shalt  }
0x81: {  	_ =	shalt  }
0x82: {  	_ =	shalt  }
0x83: {  	_ =	shalt  }
0x84: {  	_ =	shalt  }
0x85: {  	_ =	shalt  }
0x86: {  	_ =	shalt  }
0x87: {  	_ =	shalt  }
.Lfunc_end0:
.L_simem_size_0:
called_computation_lowered:
.L_overlay_start_0:
0x88: {  	s2 =	sld [smem:$0x3FD9]  }
0x89: {  	s3 =	sld [smem:$0x3FFE];
	_ =	sdelay $0x1  }
0x8a: {  	s1 =	srdreg.scid  }
0x8b: {  	s0 =	sand.u32 $0x1, s1  }
0x8c: {  	s17 =	sshll.u32 s0, $0xA;
	s2 =	sadd.s32 s3, s2  }
0x8d: {  	s2 =	sadd.s32 s2, s17  }
0x8e: {  	[smem:$0x3FC0] =	sst s2  }
0x8f: {  	_ = 	snop  }
0x90: {  	s2 =	sld [smem:$0x3FC9];
	(tm) =	ssettm $0x1  }
0x91: {  	s18 =	sld [smem:$0x3FFB];
	_ =	sdelay $0x3  }
0x92: {  	_ =	strace s18  }
0x93: {  	s3 =	sld [smem:$0x3FFC];
	_ =	sdelay $0x3  }
0x94: {  	_ =	strace s3  }
0x95: {  	s3 =	sld [smem:$0x3FFD];
	_ =	sdelay $0x3  }
0x96: {  	_ =	strace s3  }
0x97: {  	_ =	strace $0x8FFFFFFF  }
0x98: {  	s19 =	sld [smem:$0x3FDB];
	_ =	sdelay $0x1  }
0x99: {  	s4 =	simm.s32 $_scs_section_size  }
0x9a: {  	s5 =	simm.s32 $_size__tile_overlayer_lowered;
	s6 =	simm.s32 $_tile_overlayer_lowered  }
0x9b: {  	s22 =	simm.s32 $0x1BFF;
	s21 =	sshll.u32 s6, $0x1;
	s3 =	sadd.s32 s4, s19  }
0x9c: {  	s7 =	simm.s32 $0x0;
	s20 =	sshll.u32 s5, $0x1;
	s5 =	sadd.s32 s21, s3  }
0x9d: {  	[timem:s7], [sflag:s22] =	dma.local [hbm:s5], s20  }
0x9e: {  	_ =	swait.ge [sflag:s22], s20  }
0x9f: {  	s4 =	ssub.s32 $0x0, s20;
	[sflag:s22] =	ssyncset.done $0x0  }
0xa0: {  	[sflag:s22] =	ssyncadd.s32 s4;
	_ =	sdelay $0x1  }
0xa1: {  	s23 =	simm.s32 $0x1B8B  }
0xa2: {  	_ =	swait.ge [sflag:s23], $0x1  }
0xa3: {  	[sflag:s23] =	ssyncset.done $0x0  }
0xa4: {  	s25 =	simm.s32 $0x1B8E;
	s24 =	sld [smem:$0x3FFE];
	[sflag:s23] =	ssyncadd.s32 $0xFFFFFFFF  }
0xa5: {  	s26 =	simm.s32 $execute0_lowered;
	[smem:$0x3FD2] =	sst s25  }
0xa6: {  	s5 =	sshll.u32 s26, $0x1;
	_ =	strace $0x80000046;
	[dreg:$0x1] =	wrdreg $0xFFFFFFFF  }
0xa7: {  	s28 =	simm.s32 $_size_execute0_lowered;
	s3 =	sadd.s32 s3, s5;
	[dreg:$0x0] =	wrdreg $0x0  }
0xa8: {  	s5 =	sshll.u32 s28, $0x1;
	[dreg:$0x2] =	wrdreg s3  }
0xa9: {  	[dreg:$0x3] =	wrdreg s5  }
0xaa: {  	[dreg:$0x4] =	wrdreg $0xC0  }
0xab: {  	_ =	task [dreg:s7], $0x5FFFF  }
0xac: {  	[dreg:$0x1] =	wrdreg $0xFFFFFFFF  }
0xad: {  	[dreg:$0x0] =	wrdreg $0x60  }
0xae: {  	[dreg:$0x2] =	wrdreg s2  }
0xaf: {  	[dreg:$0x3] =	wrdreg s24  }
0xb0: {  	[dreg:$0x4] =	wrdreg $0x0  }
0xb1: {  	[dreg:$0x5] =	wrdreg $0x9  }
0xb2: {  	_ =	task.clear_ibuf [dreg:s7], $0x6FFFF;
	_ =	strace $0x90000046  }
0xb3: {  	s29 =	simm.s32 $0x9;
	_ =	strace $0x80000048  }
0xb4: {  	_ =	swait.ge [sflag:s29], $0x1  }
0xb5: {  	[sflag:s29] =	ssyncadd.s32 $0xFFFFFFFF  }
0xb6: {  	_ =	strace $0x90000048  }
0xb7: {  	_ =	sfence  }
0xb8: {  	s30 =	sld [smem:$0x0];
	_ =	sdelay $0x2  }
0xb9: {  	s31 =	sshll.u32 s1, $0xD;
	s1 =	sshrl.u32 s1, $0x2  }
0xba: {  	s3 =	sand.u32 $0x4000, s31;
	s1 =	sadd.s32 s1, s30  }
0xbb: {  	s0 =	sor.u32 s3, s0;
	s1 =	sshll.u32 s1, $0x11  }
0xbc: {  	s0 =	sor.u32 s1, s0  }
0xbd: {  	s0 =	sadd.s32 $0x8F2B, s0  }
0xbe: {  	[sflag:s0] =	ssyncadd.remote.s32 $0x1  }
0xbf: {  	_ =	sfence.sel $0xFFFF  }
0xc0: {  	[dreg:$0x0] =	wrdreg $0xFFFFFFFF;
	(pc) =	sbr.abs _section_cstart, $3  }
0xc1: {  	[dreg:$0x1] =	wrdreg $0xFFFFFFFF  }
0xc2: {  	_ =	task.clear_ibuf [dreg:s7], $0x2FFFF;
	_ =	strace $0x9FFFFFFF  }
0xc3: {  	(tm) =	ssettm $0x7FFFFFFF  }
tec
execute0_lowered:
.L_overlay_start_1:
0x0: {  	(tag) =	ssettag $0x1  }
0x1: {  	s1 =	rddreg [dreg:$0x0]  }
0x2: {  	s6 =	rddreg [dreg:$0x1]  }
0x3: {  	s0 =	srdreg.scid;
	s3 =	rddreg [dreg:$0x2]  }
0x4: {  	s2 =	rddreg [dreg:$0x3];
	s4 =	simm.s32 $0x0;
	s14 =	simm.s32 $0x80  }
0x5: {  	s15 =	simm.s32 $0x13F00;
	s16 =	simm.s32 $0x4;
	s17 =	simm.s32 $0x1  }
0x6: {  	s18 =	simm.s32 $0x2;
	s20 =	simm.s32 $0x3;
	s7 =	sand.u32 $0x1, s0  }
0x7: {  	s21 =	simm.s32 $0x0;
	s0 =	stileid.u32;
	s5 =	smul.u32 $0x13C000, s7  }
0x8: {  	[smem:$0x7FF] =	sst s4;
	s10 =	sadd.s32 $0x2C00, s6;
	s8 =	smul.u32 $0x13C00, s0  }
0x9: {  	_ =	strace $0x80000047;
	s29 =	smul.u32 $0x4F000, s0;
	s9 =	ssub.s32 $0x2, s7  }
0xa: {  	s11 =	sshll.u32 s0, $0x1;
	s12 =	smul.u32 $0x9E, s0;
	s19 =	sshll.u32 s0, $0x6  }
0xb: {  	s13 =	sshrl.u32 s9, $0x1;
	s11 =	sor.u32 s7, s11;
	s7 =	smul.u32 $0x4F, s7  }
0xc: {  	s5 =	sadd.s32 s8, s5;
	s9 =	ssub.s32 s9, s13;
	s11 =	smul.u32 $0x9E0, s11  }
0xd: {  	s13 =	simm.s32 $0x5;
	s8 =	sshrl.u32 s5, $0x3;
	s5 =	sadd.s32 $0x16800, s6  }
.Ltmp0:
0xe: {  	s12 =	sadd.s32 s7, s12;
	s9 =	smax.u32 s9, $0x1;
	(pc) =	sbr.rel .LBB2_1-.Ltmp0, $4  }
0xf: {  	s8 =	sadd.s32 s8, s6;
	s6 =	sshrl.u32 s29, $0x2;
	s7 =	sadd.s32 s10, s11  }
0x10: {  	s31 =	sshll.u32 s12, $0x5;
	s12 =	simm.s32 $0x13C00;
	s30 =	sadd.s32 s6, s3  }
0x11: {  	s6 =	sor.u32 $0x1C04, s19;
	s8 =	sadd.s32 $0x19000, s8;
	s10 =	sadd.s32 s31, s10  }
0x12: {  	s19 =	sor.u32 $0x1C05, s19;
	s10 =	sadd.s32 $0x20, s10;
	s11 =	sshrl.u32 s30, $0x3  }
.LBB2_3:
0x13: {  	_ =	swait.ge [sflag:s17], $0x4000  }
0x14: {  	s22 =	sshll.u32 s24, $0xE;
	s23 =	sshll.u32 s24, $0x8;
	[sflag:s17] =	ssyncset.done $0x0  }
0x15: {  	s22 =	sadd.s32 $0x13F00, s22;
	s23 =	sadd.s32 $0x13C80, s23;
	[sflag:s17] =	ssyncadd.s32 $0xFFFFC000  }
0x16: {  	[spmem:s3] =	stream.indirect.scatter.add.f32 [tilespmem:s22], [sflag:$0x2], $0x80, s23, s14, $0xb8;
	[tilespmem:$0x1FF00] =	vst v63  }
.LBB2_5:
0x17: {  	_ =	swait.ge [sflag:s18], $0x4000  }
0x18: {  	[sflag:s18] =	ssyncset.done $0x0  }
0x19: {  	[sflag:s18] =	ssyncadd.s32 $0xFFFFC000  }
0x1a: {  	_ =	swait.ge [sflag:s18], $0x4000  }
0x1b: {  	s21 =	sadd.s32 $0x1, s21;
	[sflag:s18] =	ssyncset.done $0x0  }
0x1c: {  	p0 =	sne.s32 s21, s9;
	[sflag:s18] =	ssyncadd.s32 $0xFFFFC000  }
.Ltmp1:
0x1d: {  	[bflag:$0x0] =	sbarrier.arrive $0xFFFF;
	(pc) =	sbr.rel @!p0 .LBB2_6-.Ltmp1, $4  }
0x1e: {  	[hbm:s8], [sflag:s19] =	dma.local [spmem:s11], $0x2780  }
0x1f: {  	_ =	swait.ge [sflag:s13], $0x2780  }
0x20: {  	[sflag:s13] =	ssyncset.done $0x0  }
0x21: {  	[sflag:s13] =	ssyncadd.s32 $0xFFFFD880  }
.LBB2_1:
0x22: {  	[spmem:s11], [sflag:s6] =	dma.local [hbm:s5], $0x2780  }
0x23: {  	[tilespmem:s12], [sflag:$0x5] =	stream.linear.gather [hbm4b:s7+s4], $0x100, $0x38;
	[tilespmem:$0x1FF00] =	vst v63  }
0x24: {  	_ =	swait.ge [sflag:s13], $0x100  }
0x25: {  	[sflag:s13] =	ssyncset.done $0x0  }
0x26: {  	[sflag:s13] =	ssyncadd.s32 $0xFFFFFF00  }
0x27: {  	[tilespmem:s15], [sflag:$0x1] =	stream.indirect.gather [hbm4b:s1+s14], $0x80, s12, s14, $0xb8;
	[tilespmem:$0x1FF00] =	vst v63  }
0x28: {  	_ =	swait.ge [sflag:s16], $0x2780  }
0x29: {  	[sflag:s16] =	ssyncset.done $0x0  }
0x2a: {  	[sflag:s16] =	ssyncadd.s32 $0xFFFFD880  }
0x2b: {  	s22 =	smov.u32 s10;
	s23 =	simm.s32 $0x0;
	[bflag:$0x0] =	sbarrier.arrive $0xFFFF  }
.LBB2_2:
0x2c: {  	s25 =	smul.u32 $0xAB, s23;
	p0 =	slt.u32 s23, $0x2  }
0x2d: {  	p1 =	sne.s32 @!p0 s23, $0x4E  }
0x2e: {  	s24 =	sshrl.u32 s25, $0x9;
	p1 =	por p0, p1  }
.Ltmp2:
0x2f: {  	s24 =	sand.u32 $0x7F, s24;
	(pc) =	sbr.rel @!p1 .LBB2_3-.Ltmp2, $4  }
0x30: {  	s26 =	simm.s32 @!p0 $0x2;
	s24 =	smul.u32 $0x3, s24  }
0x31: {  	_ =	swait.ge @!p0 [sflag:s26], $0x4000  }
0x32: {  	[sflag:s26] =	ssyncset.done @!p0 $0x0;
	s24 =	ssub.s32 s23, s24  }
0x33: {  	[sflag:s26] =	ssyncadd.s32 @!p0 $0xFFFFC000;
	s24 =	sand.u32 $0xFF, s24  }
0x34: {  	s25 =	sadd.s32 $0xAB, s25  }
0x35: {  	s25 =	sshrl.u32 s25, $0x9  }
0x36: {  	s25 =	sand.u32 $0x7F, s25  }
0x37: {  	s25 =	smul.u32 $0x3, s25  }
0x38: {  	s23 =	sadd.s32 $0x1, s23  }
0x39: {  	s25 =	ssub.s32 s23, s25  }
0x3a: {  	s25 =	sand.u32 $0xFF, s25  }
0x3b: {  	s26 =	sshll.u32 s25, $0x8  }
0x3c: {  	s26 =	sadd.s32 $0x13C00, s26  }
0x3d: {  	[tilespmem:s26], [sflag:$0x3] =	stream.linear.gather [hbm4b:s22+s4], $0x100, $0x38;
	[tilespmem:$0x1FF00] =	vst v63  }
0x3e: {  	s28 =	sshll.u32 s24, $0xE;
	_ =	swait.ge [sflag:s17], $0x4000  }
0x3f: {  	s30 =	sshll.u32 s24, $0x8;
	s28 =	sadd.s32 $0x13F00, s28;
	[sflag:s17] =	ssyncset.done $0x0  }
0x40: {  	s24 =	sadd.s32 $0x13C80, s30;
	p0 =	sne.s32 s23, $0x4F;
	[sflag:s17] =	ssyncadd.s32 $0xFFFFC000  }
0x41: {  	[spmem:s3] =	stream.indirect.scatter.add.f32 [tilespmem:s28], [sflag:$0x2], $0x80, s24, s14, $0xb8;
	[tilespmem:$0x1FF00] =	vst v63  }
.Ltmp3:
0x42: {  	_ = 	snop;
	(pc) =	sbr.rel @p0 .LBB2_2-.Ltmp3, $4  }
.Ltmp4:
0x43: {  	_ =	swait.ge [sflag:s20], $0x100;
	(pc) =	sbr.rel @!p0 .LBB2_5-.Ltmp4, $4  }
0x44: {  	s31 =	sshll.u32 s25, $0xE;
	[sflag:s20] =	ssyncset.done $0x0  }
0x45: {  	s22 =	sadd.s32 $0x20, s22;
	s24 =	sadd.s32 $0x13F00, s31;
	[sflag:s20] =	ssyncadd.s32 $0xFFFFFF00  }
0x46: {  	[tilespmem:s24], [sflag:$0x1] =	stream.indirect.gather [hbm4b:s1+s14], $0x80, s26, s14, $0xb8;
	[tilespmem:$0x1FF00] =	vst v63  }
0x47: {  	_ = 	snop  }
.LBB2_6:
0x48: {  	_ =	sfence.sel $0x180000  }
0x49: {  	[bflag:$0x0] =	sbarrier.arrive $0xFFFF  }
0x4a: {  	p0 =	sne.s32 s0, $0x0;
	_ =	strace $0x90000047  }
0x4b: {  	s0 =	sadd.s32 @!p0 $0x100000, s2;
	[bflag:$0x2] =	sbarrier.arrive $0xFFFF  }
0x4c: {  	[sflag:s0] =	ssyncadd.tile.s32 @!p0 $0x1;
	_ =	shalt  }
.Lfunc_end2:
_tile_overlayer_lowered:
.L_overlay_start_2:
0x4d: {  	(tag) =	ssettag $0x2  }
0x4e: {  	s0 =	rddreg [dreg:$0x0];
	s2 =	stileid.u32  }
0x4f: {  	s1 =	rddreg [dreg:$0x1];
	p0 =	sne.s32 s2, $0x0  }
0x50: {  	s3 =	rddreg [dreg:$0x2];
	[bflag:$0x3] =	sbarrier.arrive $0xFFFF;
	s2 =	simm.s32 @!p0 $0x1C05  }
0x51: {  	[timem:s3], [sflag:s2] =	dma.local @!p0 [hbm:s0], s1  }
0x52: {  	s0 =	simm.s32 @!p0 $0x5  }
0x53: {  	_ =	swait.ge @!p0 [sflag:s0], s1  }
0x54: {  	s1 =	ssub.s32 @!p0 $0x0, s1;
	[sflag:s0] =	ssyncset.done @!p0 $0x0  }
0x55: {  	[sflag:s0] =	ssyncadd.s32 @!p0 s1  }
0x56: {  	[bflag:$0x3] =	sbarrier.arrive $0xFFFF  }
0x57: {  	_ =	shalt  }

</sc_bundles>
